<compile_context>
chip_gen: v7x
topology: tpu7x:2x2x1
jax: 0.10.2.dev20260603
libtpu: 0.0.44.dev20260713+nightly
codegen_flags: <defaults>
</compile_context>

<pallas_src>
import functools

import jax
import jax.numpy as jnp
from jax import lax
from jax.experimental import pallas as pl
from jax.experimental.pallas import tpu as pltpu
from jax.experimental.pallas import tpu_sc as plsc

N_P = 10000
N_L = 10000
E = 160000
D = 256
HID = 256
H = 4
RBF_DIM = 16
SIGMA = 4.0

NC = 2
NS = 16
NW = NC * NS
CHUNK = 128
TILE_E = 5120
NCHUNK = TILE_E // CHUNK
E_PAD = NW * TILE_E
BE = 512
GRID_E = E_PAD // BE
NL_PAD = 10240
HALF = N_L // 2
AGG_PAD = 5120
GEO = 32
PW = 16
TW = 384
QSPAN = 1024


def _widx():
  return lax.axis_index("c") * NS + lax.axis_index("s")


def _sc_gather(tabp, tabl, pidx3, lidx3,
               ep_out, el_out,
               idxp, idxl, bufp, bufl,
               sem0, sem1):
  w = _widx()
  pltpu.sync_copy(pidx3.at[w], idxp)
  pltpu.sync_copy(lidx3.at[w], idxl)
  row0 = w * TILE_E

  def body(j, carry):
    r = row0 + j * CHUNK
    cp0 = pltpu.async_copy(tabp.at[idxp.at[j]], bufp, sem0)
    cp1 = pltpu.async_copy(tabl.at[idxl.at[j]], bufl, sem1)
    cp0.wait()
    pltpu.sync_copy(bufp, ep_out.at[pl.ds(r, CHUNK)])
    cp1.wait()
    pltpu.sync_copy(bufl, el_out.at[pl.ds(r, CHUNK)])
    return carry

  lax.fori_loop(0, NCHUNK, body, 0)


def _geometry(rp, rl):
  diff = rl - rp
  d2 = jnp.sum(diff * diff, axis=1, keepdims=True)
  dist = jnp.sqrt(d2)
  dirs = diff * (1.0 / (dist + 1e-8))
  centers = lax.broadcasted_iota(jnp.int32, (BE, RBF_DIM), 1).astype(
      jnp.float32) * (8.0 / (RBF_DIM - 1))
  gamma_rbf = 1.0 / (2.0 * (8.0 / RBF_DIM) ** 2)
  rbf = jnp.exp(-gamma_rbf * (dist - centers) ** 2)
  geo = jnp.concatenate(
      [dist, dirs[:, :3], rbf, dirs[:, 0:1], dirs[:, 1:2],
       jnp.zeros((BE, GEO - 22), jnp.float32)], axis=1)
  return geo, d2


def _tc_att(ep_ref, el_ref, l_ref,
            w1p_ref, w1l_ref, w1g_ref, b1_ref, w2_ref, b2_ref,
            elog_ref, den_ref):
  i = pl.program_id(0)

  @pl.when(i == 0)
  def _():
    den_ref[...] = jnp.zeros_like(den_ref)

  hp = ep_ref[:, :D]
  hl = el_ref[:, :D]
  geo, d2 = _geometry(ep_ref[:, D:D + PW], el_ref[:, D:D + PW])
  cols = []
  for h in range(H):
    acc = (jnp.dot(hp, w1p_ref[h], preferred_element_type=jnp.float32)
           + jnp.dot(hl, w1l_ref[h], preferred_element_type=jnp.float32)
           + jnp.dot(geo, w1g_ref[h], preferred_element_type=jnp.float32)
           + b1_ref[h])
    z = acc * jax.nn.sigmoid(acc)
    lg = jnp.sum(z * w2_ref[h], axis=1, keepdims=True) + b2_ref[h]
    cols.append(jnp.exp(lg))
  elog = jnp.concatenate(
      cols + [jnp.zeros((BE, 16 - H), jnp.float32)], axis=1)
  elog_ref[...] = elog
  lcol = l_ref[...]
  for qs in range(0, NL_PAD, QSPAN):
    cols_i = lax.broadcasted_iota(jnp.int32, (BE, QSPAN), 1) + qs
    oh = (lcol == cols_i).astype(jnp.float32)
    upd = lax.dot_general(oh, elog, (((0,), (0,)), ((), ())),
                          preferred_element_type=jnp.float32)
    den_ref[pl.ds(qs, QSPAN), :] += upd


def _sc_den_gather(denT, lidx3, den_out, idxv, dbuf, sem):
  w = _widx()
  pltpu.sync_copy(lidx3.at[w], idxv)
  row0 = w * TILE_E

  def body(j, carry):
    pltpu.async_copy(denT.at[idxv.at[j]], dbuf, sem).wait()
    pltpu.sync_copy(dbuf, den_out.at[pl.ds(row0 + j * CHUNK, CHUNK)])
    return carry

  lax.fori_loop(0, NCHUNK, body, 0)


def _tc_proj(ep_ref, el_ref, l_ref, elog_ref, den_ref,
             p1p_ref, p1l_ref, p1g_ref, pb1_ref, p2_ref, pb2_ref,
             agg_ref):
  i = pl.program_id(0)

  @pl.when(i == 0)
  def _():
    agg_ref[...] = jnp.zeros_like(agg_ref)

  hp = ep_ref[:, :D]
  hl = el_ref[:, :D]
  geo, d2 = _geometry(ep_ref[:, D:D + PW], el_ref[:, D:D + PW])
  decay = jnp.exp(d2 * (-1.0 / (2.0 * SIGMA * SIGMA)))
  alpha = elog_ref[...] * decay / (den_ref[:, :16] + 1e-9)
  msg = jnp.zeros((BE, D), jnp.float32)
  for h in range(H):
    acc = (jnp.dot(hp, p1p_ref[h], preferred_element_type=jnp.float32)
           + jnp.dot(hl, p1l_ref[h], preferred_element_type=jnp.float32)
           + jnp.dot(geo, p1g_ref[h], preferred_element_type=jnp.float32)
           + pb1_ref[h])
    z = acc * jax.nn.sigmoid(acc)
    v = jnp.dot(z, p2_ref[h], preferred_element_type=jnp.float32) + pb2_ref[h]
    msg = msg + v * alpha[:, h:h + 1]
  lcol = l_ref[...]
  msg_hi = msg.astype(jnp.bfloat16)
  msg_lo = (msg - msg_hi.astype(jnp.float32)).astype(jnp.bfloat16)
  for qs in range(0, NL_PAD, QSPAN):
    cols_i = lax.broadcasted_iota(jnp.int32, (BE, QSPAN), 1) + qs
    oh = (lcol == cols_i).astype(jnp.bfloat16)
    upd = (lax.dot_general(oh, msg_hi, (((0,), (0,)), ((), ())),
                           preferred_element_type=jnp.float32)
           + lax.dot_general(oh, msg_lo, (((0,), (0,)), ((), ())),
                             preferred_element_type=jnp.float32))
    agg_ref[pl.ds(qs, QSPAN), :] += upd


def _tc_ln(hlig_ref, agg_ref, g_ref, b_ref, out_ref):
  x = hlig_ref[...] + agg_ref[...]
  mean = jnp.mean(x, axis=1, keepdims=True)
  xc = x - mean
  var = jnp.mean(xc * xc, axis=1, keepdims=True)
  out_ref[...] = xc * lax.rsqrt(var + 1e-5) * g_ref[...] + b_ref[...]


def kernel(h_prot, h_lig, cross_edges, prot_pos, lig_pos,
           att_W1, att_b1, att_W2, att_b2,
           proj_W1, proj_b1, proj_W2, proj_b2,
           gamma_l, beta_l):
  f32 = jnp.float32
  p_idx = cross_edges[0].astype(jnp.int32)
  l_idx = cross_edges[1].astype(jnp.int32)
  pidx3 = jnp.pad(p_idx, (0, E_PAD - E)).reshape(NW, NCHUNK, CHUNK)
  lpad = jnp.pad(l_idx, (0, E_PAD - E), constant_values=N_L)
  lidx3 = lpad.reshape(NW, NCHUNK, CHUNK)
  tabp = jnp.concatenate(
      [h_prot, prot_pos, jnp.zeros((N_P, TW - D - 3), f32)], axis=1)
  tabl = jnp.pad(
      jnp.concatenate(
          [h_lig, lig_pos, jnp.zeros((N_L, TW - D - 3), f32)], axis=1),
      ((0, NL_PAD - N_L), (0, 0)))

  w1p = att_W1[:, :D, :]
  w1l = att_W1[:, D:2 * D, :]
  w1g = jnp.pad(att_W1[:, 2 * D:, :], ((0, 0), (0, GEO - 22), (0, 0)))
  b1 = att_b1.reshape(H, 1, HID)
  w2 = jnp.transpose(att_W2, (0, 2, 1))
  b2 = att_b2.reshape(H, 1, 1)
  p1p = proj_W1[:, :D, :]
  p1l = proj_W1[:, D:2 * D, :]
  p1g = jnp.pad(proj_W1[:, 2 * D:, :], ((0, 0), (0, GEO - 22), (0, 0)))
  pb1 = proj_b1.reshape(H, 1, HID)
  pb2 = proj_b2.reshape(H, 1, D)
  gam = gamma_l.reshape(1, D)
  bet = beta_l.reshape(1, D)

  mesh = plsc.VectorSubcoreMesh(
      core_axis_name="c", subcore_axis_name="s",
      num_cores=NC, num_subcores=NS)

  gather_call = pl.kernel(
      _sc_gather,
      out_type=[
          jax.ShapeDtypeStruct((E_PAD, TW), f32),
          jax.ShapeDtypeStruct((E_PAD, TW), f32),
      ],
      mesh=mesh,
      scratch_types=[
          pltpu.VMEM((NCHUNK, CHUNK), jnp.int32),
          pltpu.VMEM((NCHUNK, CHUNK), jnp.int32),
          pltpu.VMEM((CHUNK, TW), f32),
          pltpu.VMEM((CHUNK, TW), f32),
          pltpu.SemaphoreType.DMA,
          pltpu.SemaphoreType.DMA,
      ],
      name="sc_edge_gather",
  )
  ep_e, el_e = gather_call(tabp, tabl, pidx3, lidx3)

  wfull = lambda shape: pl.BlockSpec(shape, lambda i: (0,) * len(shape))
  eblk = lambda wdt: pl.BlockSpec((BE, wdt), lambda i: (i, 0))
  lcol2 = lpad.reshape(E_PAD, 1)
  elog, den = pl.pallas_call(
      _tc_att,
      grid=(GRID_E,),
      in_specs=[
          eblk(TW), eblk(TW), eblk(1),
          wfull((H, D, HID)), wfull((H, D, HID)), wfull((H, GEO, HID)),
          wfull((H, 1, HID)), wfull((H, 1, HID)), wfull((H, 1, 1)),
      ],
      out_specs=[eblk(16), pl.BlockSpec((NL_PAD, 16), lambda i: (0, 0))],
      out_shape=[
          jax.ShapeDtypeStruct((E_PAD, 16), f32),
          jax.ShapeDtypeStruct((NL_PAD, 16), f32),
      ],
      compiler_params=pltpu.CompilerParams(
          dimension_semantics=("arbitrary",)),
      name="tc_att",
  )(ep_e, el_e, lcol2, w1p, w1l, w1g, b1, w2, b2)
  denT = jnp.pad(den, ((0, 0), (0, 128 - 16)))

  dengather_call = pl.kernel(
      _sc_den_gather,
      out_type=[jax.ShapeDtypeStruct((E_PAD, 128), f32)],
      mesh=mesh,
      scratch_types=[
          pltpu.VMEM((NCHUNK, CHUNK), jnp.int32),
          pltpu.VMEM((CHUNK, 128), f32),
          pltpu.SemaphoreType.DMA,
      ],
      name="sc_den_gather",
  )
  (den_e,) = dengather_call(denT, lidx3)

  (agg,) = pl.pallas_call(
      _tc_proj,
      grid=(GRID_E,),
      in_specs=[
          eblk(TW), eblk(TW), eblk(1), eblk(16), eblk(128),
          wfull((H, D, HID)), wfull((H, D, HID)), wfull((H, GEO, HID)),
          wfull((H, 1, HID)), wfull((H, HID, D)), wfull((H, 1, D)),
      ],
      out_specs=[pl.BlockSpec((NL_PAD, D), lambda i: (0, 0))],
      out_shape=[jax.ShapeDtypeStruct((NL_PAD, D), f32)],
      compiler_params=pltpu.CompilerParams(
          dimension_semantics=("arbitrary",)),
      name="tc_proj",
  )(ep_e, el_e, lcol2, elog, den_e, p1p, p1l, p1g, pb1, proj_W2, pb2)

  BN = 40
  nblk = N_L // BN
  h_l_out = pl.pallas_call(
      _tc_ln,
      grid=(nblk,),
      in_specs=[
          pl.BlockSpec((BN, D), lambda i: (i, 0)),
          pl.BlockSpec((BN, D), lambda i: (i, 0)),
          pl.BlockSpec((1, D), lambda i: (0, 0)),
          pl.BlockSpec((1, D), lambda i: (0, 0)),
      ],
      out_specs=pl.BlockSpec((BN, D), lambda i: (i, 0)),
      out_shape=jax.ShapeDtypeStruct((N_L, D), f32),
      compiler_params=pltpu.CompilerParams(
          dimension_semantics=("arbitrary",)),
      name="tc_layernorm",
  )(h_lig, agg, gam, bet)

  return (h_prot, h_l_out)

# --- scband reference (transcript-rebuilt; emitter-appended) ---
"""Pipeline reference for scband-cross-graph-message-passing-45561013075985 (READ-ONLY COPY).

The authoritative reference and input builder live on the scoring server;
editing this copy changes nothing except your own understanding.
"""

import jax, jax.numpy as jnp
import numpy as np

N_P = 10000
N_L = 10000
E = 160000
D = 256
HID = 256
H = 4
RBF_DIM = 16
IN_DIM = D + D + 1 + 3 + RBF_DIM + 2  # 534
SIGMA = 4.0


def setup_inputs(seed: int = 0) -> dict:
    key = jax.random.key(seed)
    ks = jax.random.split(key, 16)
    s = 0.05
    h_prot = jax.random.normal(ks[0], (N_P, D), jnp.float32)
    h_lig = jax.random.normal(ks[1], (N_L, D), jnp.float32)
    cross_edges = jax.random.randint(ks[2], (2, E), 0, N_P, dtype=jnp.int32).astype(jnp.int64)
    prot_pos = jax.random.normal(ks[3], (N_P, 3), jnp.float32)
    lig_pos = jax.random.normal(ks[4], (N_L, 3), jnp.float32)
    att_W1 = jax.random.normal(ks[5], (H, IN_DIM, HID), jnp.float32) * s
    att_b1 = jnp.zeros((H, HID), jnp.float32)
    att_W2 = jax.random.normal(ks[6], (H, HID, 1), jnp.float32) * s
    att_b2 = jnp.zeros((H, 1), jnp.float32)
    proj_W1 = jax.random.normal(ks[7], (H, IN_DIM, HID), jnp.float32) * s
    proj_b1 = jnp.zeros((H, HID), jnp.float32)
    proj_W2 = jax.random.normal(ks[8], (H, HID, D), jnp.float32) * s
    proj_b2 = jnp.zeros((H, D), jnp.float32)
    gamma_l = jnp.ones((D,), jnp.float32)
    beta_l = jnp.zeros((D,), jnp.float32)
    return {
        'h_prot': h_prot, 'h_lig': h_lig, 'cross_edges': cross_edges,
        'prot_pos': prot_pos, 'lig_pos': lig_pos,
        'att_W1': att_W1, 'att_b1': att_b1, 'att_W2': att_W2, 'att_b2': att_b2,
        'proj_W1': proj_W1, 'proj_b1': proj_b1, 'proj_W2': proj_W2, 'proj_b2': proj_b2,
        'gamma_l': gamma_l, 'beta_l': beta_l,
    }


def _layer_norm(x, gamma, beta, eps=1e-5):
    mean = jnp.mean(x, axis=-1, keepdims=True)
    var = jnp.mean((x - mean) ** 2, axis=-1, keepdims=True)
    return (x - mean) / jnp.sqrt(var + eps) * gamma + beta


def reference(h_prot, h_lig, cross_edges, prot_pos, lig_pos,
              att_W1, att_b1, att_W2, att_b2,
              proj_W1, proj_b1, proj_W2, proj_b2,
              gamma_l, beta_l):
    p_idx = cross_edges[0]
    l_idx = cross_edges[1]
    hp = jnp.take(h_prot, p_idx, axis=0)
    hl = jnp.take(h_lig, l_idx, axis=0)
    rp = jnp.take(prot_pos, p_idx, axis=0)
    rl = jnp.take(lig_pos, l_idx, axis=0)
    diff = rl - rp
    dist = jnp.linalg.norm(diff, axis=-1, keepdims=True)  # [E,1]
    dir_unit = diff / (dist + 1e-08)
    centers = jnp.linspace(0.0, 8.0, RBF_DIM, dtype=jnp.float32)
    gamma_rbf = 1.0 / (2.0 * (8.0 / RBF_DIM) ** 2)
    rbf = jnp.exp(-gamma_rbf * (dist - centers) ** 2)  # [E, RBF_DIM]
    ux = diff / (dist + 1e-08)
    cos_l = ux[:, 0:1]
    cos_p = ux[:, 1:2]
    cat = jnp.concatenate([hp, hl, dist, dir_unit, rbf, cos_l, cos_p], axis=-1)
    d = dist[:, 0]
    decay = jnp.exp(-d ** 2 / (2.0 * SIGMA ** 2))
    agg_l = jnp.zeros_like(h_lig)
    for h in range(H):
        z = jax.nn.silu(cat @ att_W1[h] + att_b1[h])
        logits = (z @ att_W2[h] + att_b2[h])[:, 0]
        max_per_l = jax.ops.segment_max(logits, l_idx, num_segments=N_L)
        weights = jnp.exp(logits - jnp.take(max_per_l, l_idx, axis=0))
        denom = jax.ops.segment_sum(weights, l_idx, num_segments=N_L)
        alpha = weights / (jnp.take(denom, l_idx, axis=0) + 1e-09)
        alpha = alpha * decay
        v = jax.nn.silu(cat @ proj_W1[h] + proj_b1[h]) @ proj_W2[h] + proj_b2[h]
        msg = v * alpha[:, None]
        agg_l = agg_l.at[l_idx].add(msg)
    h_l_out = _layer_norm(h_lig + agg_l, gamma_l, beta_l)
    h_p_out = h_prot
    return (h_p_out, h_l_out)

if __name__ == "__main__":
    import jax
    _d = setup_inputs()
    print(jax.jit(kernel)(*tuple(_d.values())))

</pallas_src>

<mosaic_0001>
#map = affine_map<(d0, d1) -> (0, 0)>
#map1 = affine_map<(d0, d1) -> (0, 0, 0)>
module attributes {stable_mosaic.version = 14 : i64} {
  func.func @sc_edge_gather(%arg0: i32, %arg1: i32, %arg2: memref<10000x384xf32, #tpu.memory_space<hbm>>, %arg3: memref<10240x384xf32, #tpu.memory_space<hbm>>, %arg4: memref<32x40x128xi32, #tpu.memory_space<hbm>>, %arg5: memref<32x40x128xi32, #tpu.memory_space<hbm>>, %arg6: memref<163840x384xf32, #tpu.memory_space<hbm>>, %arg7: memref<163840x384xf32, #tpu.memory_space<hbm>>, %arg8: memref<40x128xi32, #tpu.memory_space<vmem>>, %arg9: memref<40x128xi32, #tpu.memory_space<vmem>>, %arg10: memref<128x384xf32, #tpu.memory_space<vmem>>, %arg11: memref<128x384xf32, #tpu.memory_space<vmem>>, %arg12: memref<!tpu.dma_semaphore, #tpu.memory_space<semaphore_mem>>, %arg13: memref<!tpu.dma_semaphore, #tpu.memory_space<semaphore_mem>>) attributes {dimension_semantics = [#tpu.dimension_semantics<core_parallel>, #tpu.dimension_semantics<subcore_parallel>], iteration_bounds = array<i64: 2, 16>, scalar_prefetch = 0 : i64, scratch_operands = 6 : i64, tpu.core_type = #tpu.core_type<sc_vector_subcore>, window_params = [{transform_indices = #map}, {transform_indices = #map}, {transform_indices = #map1}, {transform_indices = #map1}, {transform_indices = #map}, {transform_indices = #map}]} {
    %mul3A = arith.constant 16 : i32
    %mul3A_0 = arith.muli %arg0, %mul3A : i32
    %add3A = arith.addi %mul3A_0, %arg1 : i32
    "tpu.region"() ({
      %run_scoped3A = tpu.sem_alloc : memref<!tpu.dma_semaphore, #tpu.memory_space<semaphore_mem>>
      %dma_start3A = arith.constant 0 : i32
      %dma_start3A_8 = arith.constant 0 : i32
      %dma_start3A_9 = tpu.memref_slice %arg4[%add3A, %dma_start3A, %dma_start3A_8] : memref<32x40x128xi32, #tpu.memory_space<hbm>> -> memref<1x40x128xi32, #tpu.memory_space<hbm>>
      %dma_start3A_10 = tpu.memref_squeeze %dma_start3A_9 : memref<1x40x128xi32, #tpu.memory_space<hbm>> -> memref<40x128xi32, #tpu.memory_space<hbm>>
      %dma_start3A_11 = arith.constant 0 : i32
      %dma_start3A_12 = arith.constant 0 : i32
      %dma_start3A_13 = tpu.memref_slice %arg4[%add3A, %dma_start3A_11, %dma_start3A_12] : memref<32x40x128xi32, #tpu.memory_space<hbm>> -> memref<1x40x128xi32, #tpu.memory_space<hbm>>
      %dma_start3A_14 = tpu.memref_squeeze %dma_start3A_13 : memref<1x40x128xi32, #tpu.memory_space<hbm>> -> memref<40x128xi32, #tpu.memory_space<hbm>>
      tpu.enqueue_dma source(%dma_start3A_14 : memref<40x128xi32, #tpu.memory_space<hbm>>) target(%arg8 : memref<40x128xi32, #tpu.memory_space<vmem>>) target_semaphore(%run_scoped3A : memref<!tpu.dma_semaphore, #tpu.memory_space<semaphore_mem>>)
      %dma_wait3A = arith.constant 0 : i32
      %dma_wait3A_15 = arith.constant 0 : i32
      %dma_wait3A_16 = tpu.memref_slice %arg4[%add3A, %dma_wait3A, %dma_wait3A_15] : memref<32x40x128xi32, #tpu.memory_space<hbm>> -> memref<1x40x128xi32, #tpu.memory_space<hbm>>
      %dma_wait3A_17 = tpu.memref_squeeze %dma_wait3A_16 : memref<1x40x128xi32, #tpu.memory_space<hbm>> -> memref<40x128xi32, #tpu.memory_space<hbm>>
      %dma_wait3A_18 = arith.constant 0 : i32
      %dma_wait3A_19 = arith.constant 0 : i32
      %dma_wait3A_20 = tpu.memref_slice %arg4[%add3A, %dma_wait3A_18, %dma_wait3A_19] : memref<32x40x128xi32, #tpu.memory_space<hbm>> -> memref<1x40x128xi32, #tpu.memory_space<hbm>>
      %dma_wait3A_21 = tpu.memref_squeeze %dma_wait3A_20 : memref<1x40x128xi32, #tpu.memory_space<hbm>> -> memref<40x128xi32, #tpu.memory_space<hbm>>
      tpu.wait_dma2 semaphore(%run_scoped3A : memref<!tpu.dma_semaphore, #tpu.memory_space<semaphore_mem>>) src(%dma_wait3A_21 : memref<40x128xi32, #tpu.memory_space<hbm>>) dst(%arg8 : memref<40x128xi32, #tpu.memory_space<vmem>>)
      tpu.yield
    }) : () -> ()
    "tpu.region"() ({
      %run_scoped3A = tpu.sem_alloc : memref<!tpu.dma_semaphore, #tpu.memory_space<semaphore_mem>>
      %dma_start3A = arith.constant 0 : i32
      %dma_start3A_8 = arith.constant 0 : i32
      %dma_start3A_9 = tpu.memref_slice %arg5[%add3A, %dma_start3A, %dma_start3A_8] : memref<32x40x128xi32, #tpu.memory_space<hbm>> -> memref<1x40x128xi32, #tpu.memory_space<hbm>>
      %dma_start3A_10 = tpu.memref_squeeze %dma_start3A_9 : memref<1x40x128xi32, #tpu.memory_space<hbm>> -> memref<40x128xi32, #tpu.memory_space<hbm>>
      %dma_start3A_11 = arith.constant 0 : i32
      %dma_start3A_12 = arith.constant 0 : i32
      %dma_start3A_13 = tpu.memref_slice %arg5[%add3A, %dma_start3A_11, %dma_start3A_12] : memref<32x40x128xi32, #tpu.memory_space<hbm>> -> memref<1x40x128xi32, #tpu.memory_space<hbm>>
      %dma_start3A_14 = tpu.memref_squeeze %dma_start3A_13 : memref<1x40x128xi32, #tpu.memory_space<hbm>> -> memref<40x128xi32, #tpu.memory_space<hbm>>
      tpu.enqueue_dma source(%dma_start3A_14 : memref<40x128xi32, #tpu.memory_space<hbm>>) target(%arg9 : memref<40x128xi32, #tpu.memory_space<vmem>>) target_semaphore(%run_scoped3A : memref<!tpu.dma_semaphore, #tpu.memory_space<semaphore_mem>>)
      %dma_wait3A = arith.constant 0 : i32
      %dma_wait3A_15 = arith.constant 0 : i32
      %dma_wait3A_16 = tpu.memref_slice %arg5[%add3A, %dma_wait3A, %dma_wait3A_15] : memref<32x40x128xi32, #tpu.memory_space<hbm>> -> memref<1x40x128xi32, #tpu.memory_space<hbm>>
      %dma_wait3A_17 = tpu.memref_squeeze %dma_wait3A_16 : memref<1x40x128xi32, #tpu.memory_space<hbm>> -> memref<40x128xi32, #tpu.memory_space<hbm>>
      %dma_wait3A_18 = arith.constant 0 : i32
      %dma_wait3A_19 = arith.constant 0 : i32
      %dma_wait3A_20 = tpu.memref_slice %arg5[%add3A, %dma_wait3A_18, %dma_wait3A_19] : memref<32x40x128xi32, #tpu.memory_space<hbm>> -> memref<1x40x128xi32, #tpu.memory_space<hbm>>
      %dma_wait3A_21 = tpu.memref_squeeze %dma_wait3A_20 : memref<1x40x128xi32, #tpu.memory_space<hbm>> -> memref<40x128xi32, #tpu.memory_space<hbm>>
      tpu.wait_dma2 semaphore(%run_scoped3A : memref<!tpu.dma_semaphore, #tpu.memory_space<semaphore_mem>>) src(%dma_wait3A_21 : memref<40x128xi32, #tpu.memory_space<hbm>>) dst(%arg9 : memref<40x128xi32, #tpu.memory_space<vmem>>)
      tpu.yield
    }) : () -> ()
    %mul3A_1 = arith.constant 5120 : i32
    %mul3A_2 = arith.muli %add3A, %mul3A_1 : i32
    %scan3A = arith.constant 0 : i32
    %scan3A_3 = arith.constant 0 : i32
    %scan3A_4 = arith.constant 40 : i32
    %scan3A_5 = arith.addi %scan3A_3, %scan3A_4 : i32
    %scan3A_6 = arith.constant 1 : i32
    scf.for %scan3A_8 = %scan3A_3 to %scan3A_5 step %scan3A_6  : i32 {
      %mul3A_9 = arith.constant 128 : i32
      %mul3A_10 = arith.muli %scan3A_8, %mul3A_9 : i32
      %add3A_11 = arith.addi %mul3A_2, %mul3A_10 : i32
      %dma_start3A = arith.constant 0 : i32
      %dma_start3A_12 = tpu.memref_slice %arg8[%scan3A_8, %dma_start3A] : memref<40x128xi32, #tpu.memory_space<vmem>> -> memref<1x128xi32, #tpu.memory_space<vmem>>
      %dma_start3A_13 = tpu.memref_squeeze %dma_start3A_12 : memref<1x128xi32, #tpu.memory_space<vmem>> -> memref<128xi32, #tpu.memory_space<vmem>>
      %dma_start3A_14 = arith.constant 0 : i32
      %dma_start3A_15 = arith.constant 0 : i32
      %dma_start3A_16 = tpu.memref_slice %arg2[%dma_start3A_14, %dma_start3A_15] : memref<10000x384xf32, #tpu.memory_space<hbm>> -> memref<10000x384xf32, #tpu.memory_space<hbm>>
      tpu.enqueue_indirect_dma source(%dma_start3A_16 : memref<10000x384xf32, #tpu.memory_space<hbm>>) target(%arg10 : memref<128x384xf32, #tpu.memory_space<vmem>>) offsets(%dma_start3A_13 : memref<128xi32, #tpu.memory_space<vmem>>) semaphore(%arg12 : memref<!tpu.dma_semaphore, #tpu.memory_space<semaphore_mem>>)
      %dma_start3A_17 = arith.constant 0 : i32
      %dma_start3A_18 = tpu.memref_slice %arg9[%scan3A_8, %dma_start3A_17] : memref<40x128xi32, #tpu.memory_space<vmem>> -> memref<1x128xi32, #tpu.memory_space<vmem>>
      %dma_start3A_19 = tpu.memref_squeeze %dma_start3A_18 : memref<1x128xi32, #tpu.memory_space<vmem>> -> memref<128xi32, #tpu.memory_space<vmem>>
      %dma_start3A_20 = arith.constant 0 : i32
      %dma_start3A_21 = arith.constant 0 : i32
      %dma_start3A_22 = tpu.memref_slice %arg3[%dma_start3A_20, %dma_start3A_21] : memref<10240x384xf32, #tpu.memory_space<hbm>> -> memref<10240x384xf32, #tpu.memory_space<hbm>>
      tpu.enqueue_indirect_dma source(%dma_start3A_22 : memref<10240x384xf32, #tpu.memory_space<hbm>>) target(%arg11 : memref<128x384xf32, #tpu.memory_space<vmem>>) offsets(%dma_start3A_19 : memref<128xi32, #tpu.memory_space<vmem>>) semaphore(%arg13 : memref<!tpu.dma_semaphore, #tpu.memory_space<semaphore_mem>>)
      %dma_wait3A = arith.constant 0 : i32
      %dma_wait3A_23 = tpu.memref_slice %arg8[%scan3A_8, %dma_wait3A] : memref<40x128xi32, #tpu.memory_space<vmem>> -> memref<1x128xi32, #tpu.memory_space<vmem>>
      %dma_wait3A_24 = tpu.memref_squeeze %dma_wait3A_23 : memref<1x128xi32, #tpu.memory_space<vmem>> -> memref<128xi32, #tpu.memory_space<vmem>>
      %dma_wait3A_25 = arith.constant 0 : i32
      %dma_wait3A_26 = arith.constant 0 : i32
      %dma_wait3A_27 = tpu.memref_slice %arg2[%dma_wait3A_25, %dma_wait3A_26] : memref<10000x384xf32, #tpu.memory_space<hbm>> -> memref<10000x384xf32, #tpu.memory_space<hbm>>
      tpu.wait_indirect_dma semaphore(%arg12 : memref<!tpu.dma_semaphore, #tpu.memory_space<semaphore_mem>>) src(%dma_wait3A_27 : memref<10000x384xf32, #tpu.memory_space<hbm>>) dst(%arg10 : memref<128x384xf32, #tpu.memory_space<vmem>>)
      "tpu.region"() ({
        %run_scoped3A = tpu.sem_alloc : memref<!tpu.dma_semaphore, #tpu.memory_space<semaphore_mem>>
        %dma_start3A_34 = arith.constant 0 : i32
        %dma_start3A_35 = tpu.memref_slice %arg6[%add3A_11, %dma_start3A_34] : memref<163840x384xf32, #tpu.memory_space<hbm>> -> memref<128x384xf32, #tpu.memory_space<hbm>>
        %dma_start3A_36 = arith.constant 0 : i32
        %dma_start3A_37 = tpu.memref_slice %arg6[%add3A_11, %dma_start3A_36] : memref<163840x384xf32, #tpu.memory_space<hbm>> -> memref<128x384xf32, #tpu.memory_space<hbm>>
        tpu.enqueue_dma source(%arg10 : memref<128x384xf32, #tpu.memory_space<vmem>>) target(%dma_start3A_37 : memref<128x384xf32, #tpu.memory_space<hbm>>) target_semaphore(%run_scoped3A : memref<!tpu.dma_semaphore, #tpu.memory_space<semaphore_mem>>)
        %dma_wait3A_38 = arith.constant 0 : i32
        %dma_wait3A_39 = tpu.memref_slice %arg6[%add3A_11, %dma_wait3A_38] : memref<163840x384xf32, #tpu.memory_space<hbm>> -> memref<128x384xf32, #tpu.memory_space<hbm>>
        %dma_wait3A_40 = arith.constant 0 : i32
        %dma_wait3A_41 = tpu.memref_slice %arg6[%add3A_11, %dma_wait3A_40] : memref<163840x384xf32, #tpu.memory_space<hbm>> -> memref<128x384xf32, #tpu.memory_space<hbm>>
        tpu.wait_dma2 semaphore(%run_scoped3A : memref<!tpu.dma_semaphore, #tpu.memory_space<semaphore_mem>>) src(%arg10 : memref<128x384xf32, #tpu.memory_space<vmem>>) dst(%dma_wait3A_41 : memref<128x384xf32, #tpu.memory_space<hbm>>)
        tpu.yield
      }) : () -> ()
      %dma_wait3A_28 = arith.constant 0 : i32
      %dma_wait3A_29 = tpu.memref_slice %arg9[%scan3A_8, %dma_wait3A_28] : memref<40x128xi32, #tpu.memory_space<vmem>> -> memref<1x128xi32, #tpu.memory_space<vmem>>
      %dma_wait3A_30 = tpu.memref_squeeze %dma_wait3A_29 : memref<1x128xi32, #tpu.memory_space<vmem>> -> memref<128xi32, #tpu.memory_space<vmem>>
      %dma_wait3A_31 = arith.constant 0 : i32
      %dma_wait3A_32 = arith.constant 0 : i32
      %dma_wait3A_33 = tpu.memref_slice %arg3[%dma_wait3A_31, %dma_wait3A_32] : memref<10240x384xf32, #tpu.memory_space<hbm>> -> memref<10240x384xf32, #tpu.memory_space<hbm>>
      tpu.wait_indirect_dma semaphore(%arg13 : memref<!tpu.dma_semaphore, #tpu.memory_space<semaphore_mem>>) src(%dma_wait3A_33 : memref<10240x384xf32, #tpu.memory_space<hbm>>) dst(%arg11 : memref<128x384xf32, #tpu.memory_space<vmem>>)
      "tpu.region"() ({
        %run_scoped3A = tpu.sem_alloc : memref<!tpu.dma_semaphore, #tpu.memory_space<semaphore_mem>>
        %dma_start3A_34 = arith.constant 0 : i32
        %dma_start3A_35 = tpu.memref_slice %arg7[%add3A_11, %dma_start3A_34] : memref<163840x384xf32, #tpu.memory_space<hbm>> -> memref<128x384xf32, #tpu.memory_space<hbm>>
        %dma_start3A_36 = arith.constant 0 : i32
        %dma_start3A_37 = tpu.memref_slice %arg7[%add3A_11, %dma_start3A_36] : memref<163840x384xf32, #tpu.memory_space<hbm>> -> memref<128x384xf32, #tpu.memory_space<hbm>>
        tpu.enqueue_dma source(%arg11 : memref<128x384xf32, #tpu.memory_space<vmem>>) target(%dma_start3A_37 : memref<128x384xf32, #tpu.memory_space<hbm>>) target_semaphore(%run_scoped3A : memref<!tpu.dma_semaphore, #tpu.memory_space<semaphore_mem>>)
        %dma_wait3A_38 = arith.constant 0 : i32
        %dma_wait3A_39 = tpu.memref_slice %arg7[%add3A_11, %dma_wait3A_38] : memref<163840x384xf32, #tpu.memory_space<hbm>> -> memref<128x384xf32, #tpu.memory_space<hbm>>
        %dma_wait3A_40 = arith.constant 0 : i32
        %dma_wait3A_41 = tpu.memref_slice %arg7[%add3A_11, %dma_wait3A_40] : memref<163840x384xf32, #tpu.memory_space<hbm>> -> memref<128x384xf32, #tpu.memory_space<hbm>>
        tpu.wait_dma2 semaphore(%run_scoped3A : memref<!tpu.dma_semaphore, #tpu.memory_space<semaphore_mem>>) src(%arg11 : memref<128x384xf32, #tpu.memory_space<vmem>>) dst(%dma_wait3A_41 : memref<128x384xf32, #tpu.memory_space<hbm>>)
        tpu.yield
      }) : () -> ()
    }
    %scan3A_7 = arith.constant 40 : i32
    return
  }
}

#map = affine_map<(d0, d1) -> (0, 0)>
#map1 = affine_map<(d0, d1) -> (0, 0, 0)>
module attributes {stable_mosaic.version = 14 : i64} {
  func.func @sc_den_gather(%arg0: i32, %arg1: i32, %arg2: memref<10240x128xf32, #tpu.memory_space<hbm>>, %arg3: memref<32x40x128xi32, #tpu.memory_space<hbm>>, %arg4: memref<163840x128xf32, #tpu.memory_space<hbm>>, %arg5: memref<40x128xi32, #tpu.memory_space<vmem>>, %arg6: memref<128x128xf32, #tpu.memory_space<vmem>>, %arg7: memref<!tpu.dma_semaphore, #tpu.memory_space<semaphore_mem>>) attributes {dimension_semantics = [#tpu.dimension_semantics<core_parallel>, #tpu.dimension_semantics<subcore_parallel>], iteration_bounds = array<i64: 2, 16>, scalar_prefetch = 0 : i64, scratch_operands = 3 : i64, tpu.core_type = #tpu.core_type<sc_vector_subcore>, window_params = [{transform_indices = #map}, {transform_indices = #map1}, {transform_indices = #map}]} {
    %mul3A = arith.constant 16 : i32
    %mul3A_0 = arith.muli %arg0, %mul3A : i32
    %add3A = arith.addi %mul3A_0, %arg1 : i32
    "tpu.region"() ({
      %run_scoped3A = tpu.sem_alloc : memref<!tpu.dma_semaphore, #tpu.memory_space<semaphore_mem>>
      %dma_start3A = arith.constant 0 : i32
      %dma_start3A_8 = arith.constant 0 : i32
      %dma_start3A_9 = tpu.memref_slice %arg3[%add3A, %dma_start3A, %dma_start3A_8] : memref<32x40x128xi32, #tpu.memory_space<hbm>> -> memref<1x40x128xi32, #tpu.memory_space<hbm>>
      %dma_start3A_10 = tpu.memref_squeeze %dma_start3A_9 : memref<1x40x128xi32, #tpu.memory_space<hbm>> -> memref<40x128xi32, #tpu.memory_space<hbm>>
      %dma_start3A_11 = arith.constant 0 : i32
      %dma_start3A_12 = arith.constant 0 : i32
      %dma_start3A_13 = tpu.memref_slice %arg3[%add3A, %dma_start3A_11, %dma_start3A_12] : memref<32x40x128xi32, #tpu.memory_space<hbm>> -> memref<1x40x128xi32, #tpu.memory_space<hbm>>
      %dma_start3A_14 = tpu.memref_squeeze %dma_start3A_13 : memref<1x40x128xi32, #tpu.memory_space<hbm>> -> memref<40x128xi32, #tpu.memory_space<hbm>>
      tpu.enqueue_dma source(%dma_start3A_14 : memref<40x128xi32, #tpu.memory_space<hbm>>) target(%arg5 : memref<40x128xi32, #tpu.memory_space<vmem>>) target_semaphore(%run_scoped3A : memref<!tpu.dma_semaphore, #tpu.memory_space<semaphore_mem>>)
      %dma_wait3A = arith.constant 0 : i32
      %dma_wait3A_15 = arith.constant 0 : i32
      %dma_wait3A_16 = tpu.memref_slice %arg3[%add3A, %dma_wait3A, %dma_wait3A_15] : memref<32x40x128xi32, #tpu.memory_space<hbm>> -> memref<1x40x128xi32, #tpu.memory_space<hbm>>
      %dma_wait3A_17 = tpu.memref_squeeze %dma_wait3A_16 : memref<1x40x128xi32, #tpu.memory_space<hbm>> -> memref<40x128xi32, #tpu.memory_space<hbm>>
      %dma_wait3A_18 = arith.constant 0 : i32
      %dma_wait3A_19 = arith.constant 0 : i32
      %dma_wait3A_20 = tpu.memref_slice %arg3[%add3A, %dma_wait3A_18, %dma_wait3A_19] : memref<32x40x128xi32, #tpu.memory_space<hbm>> -> memref<1x40x128xi32, #tpu.memory_space<hbm>>
      %dma_wait3A_21 = tpu.memref_squeeze %dma_wait3A_20 : memref<1x40x128xi32, #tpu.memory_space<hbm>> -> memref<40x128xi32, #tpu.memory_space<hbm>>
      tpu.wait_dma2 semaphore(%run_scoped3A : memref<!tpu.dma_semaphore, #tpu.memory_space<semaphore_mem>>) src(%dma_wait3A_21 : memref<40x128xi32, #tpu.memory_space<hbm>>) dst(%arg5 : memref<40x128xi32, #tpu.memory_space<vmem>>)
      tpu.yield
    }) : () -> ()
    %mul3A_1 = arith.constant 5120 : i32
    %mul3A_2 = arith.muli %add3A, %mul3A_1 : i32
    %scan3A = arith.constant 0 : i32
    %scan3A_3 = arith.constant 0 : i32
    %scan3A_4 = arith.constant 40 : i32
    %scan3A_5 = arith.addi %scan3A_3, %scan3A_4 : i32
    %scan3A_6 = arith.constant 1 : i32
    scf.for %scan3A_8 = %scan3A_3 to %scan3A_5 step %scan3A_6  : i32 {
      %dma_start3A = arith.constant 0 : i32
      %dma_start3A_9 = tpu.memref_slice %arg5[%scan3A_8, %dma_start3A] : memref<40x128xi32, #tpu.memory_space<vmem>> -> memref<1x128xi32, #tpu.memory_space<vmem>>
      %dma_start3A_10 = tpu.memref_squeeze %dma_start3A_9 : memref<1x128xi32, #tpu.memory_space<vmem>> -> memref<128xi32, #tpu.memory_space<vmem>>
      %dma_start3A_11 = arith.constant 0 : i32
      %dma_start3A_12 = arith.constant 0 : i32
      %dma_start3A_13 = tpu.memref_slice %arg2[%dma_start3A_11, %dma_start3A_12] : memref<10240x128xf32, #tpu.memory_space<hbm>> -> memref<10240x128xf32, #tpu.memory_space<hbm>>
      tpu.enqueue_indirect_dma source(%dma_start3A_13 : memref<10240x128xf32, #tpu.memory_space<hbm>>) target(%arg6 : memref<128x128xf32, #tpu.memory_space<vmem>>) offsets(%dma_start3A_10 : memref<128xi32, #tpu.memory_space<vmem>>) semaphore(%arg7 : memref<!tpu.dma_semaphore, #tpu.memory_space<semaphore_mem>>)
      %dma_wait3A = arith.constant 0 : i32
      %dma_wait3A_14 = tpu.memref_slice %arg5[%scan3A_8, %dma_wait3A] : memref<40x128xi32, #tpu.memory_space<vmem>> -> memref<1x128xi32, #tpu.memory_space<vmem>>
      %dma_wait3A_15 = tpu.memref_squeeze %dma_wait3A_14 : memref<1x128xi32, #tpu.memory_space<vmem>> -> memref<128xi32, #tpu.memory_space<vmem>>
      %dma_wait3A_16 = arith.constant 0 : i32
      %dma_wait3A_17 = arith.constant 0 : i32
      %dma_wait3A_18 = tpu.memref_slice %arg2[%dma_wait3A_16, %dma_wait3A_17] : memref<10240x128xf32, #tpu.memory_space<hbm>> -> memref<10240x128xf32, #tpu.memory_space<hbm>>
      tpu.wait_indirect_dma semaphore(%arg7 : memref<!tpu.dma_semaphore, #tpu.memory_space<semaphore_mem>>) src(%dma_wait3A_18 : memref<10240x128xf32, #tpu.memory_space<hbm>>) dst(%arg6 : memref<128x128xf32, #tpu.memory_space<vmem>>)
      %mul3A_19 = arith.constant 128 : i32
      %mul3A_20 = arith.muli %scan3A_8, %mul3A_19 : i32
      %add3A_21 = arith.addi %mul3A_2, %mul3A_20 : i32
      "tpu.region"() ({
        %run_scoped3A = tpu.sem_alloc : memref<!tpu.dma_semaphore, #tpu.memory_space<semaphore_mem>>
        %dma_start3A_22 = arith.constant 0 : i32
        %dma_start3A_23 = tpu.memref_slice %arg4[%add3A_21, %dma_start3A_22] : memref<163840x128xf32, #tpu.memory_space<hbm>> -> memref<128x128xf32, #tpu.memory_space<hbm>>
        %dma_start3A_24 = arith.constant 0 : i32
        %dma_start3A_25 = tpu.memref_slice %arg4[%add3A_21, %dma_start3A_24] : memref<163840x128xf32, #tpu.memory_space<hbm>> -> memref<128x128xf32, #tpu.memory_space<hbm>>
        tpu.enqueue_dma source(%arg6 : memref<128x128xf32, #tpu.memory_space<vmem>>) target(%dma_start3A_25 : memref<128x128xf32, #tpu.memory_space<hbm>>) target_semaphore(%run_scoped3A : memref<!tpu.dma_semaphore, #tpu.memory_space<semaphore_mem>>)
        %dma_wait3A_26 = arith.constant 0 : i32
        %dma_wait3A_27 = tpu.memref_slice %arg4[%add3A_21, %dma_wait3A_26] : memref<163840x128xf32, #tpu.memory_space<hbm>> -> memref<128x128xf32, #tpu.memory_space<hbm>>
        %dma_wait3A_28 = arith.constant 0 : i32
        %dma_wait3A_29 = tpu.memref_slice %arg4[%add3A_21, %dma_wait3A_28] : memref<163840x128xf32, #tpu.memory_space<hbm>> -> memref<128x128xf32, #tpu.memory_space<hbm>>
        tpu.wait_dma2 semaphore(%run_scoped3A : memref<!tpu.dma_semaphore, #tpu.memory_space<semaphore_mem>>) src(%arg6 : memref<128x128xf32, #tpu.memory_space<vmem>>) dst(%dma_wait3A_29 : memref<128x128xf32, #tpu.memory_space<hbm>>)
        tpu.yield
      }) : () -> ()
    }
    %scan3A_7 = arith.constant 40 : i32
    return
  }
}

module attributes {stable_mosaic.version = 14 : i64} {
  func.func @tc_att(%arg0: i32, %arg1: memref<512x384xf32, #tpu.memory_space<vmem>>, %arg2: memref<512x384xf32, #tpu.memory_space<vmem>>, %arg3: memref<512x1xi32, #tpu.memory_space<vmem>>, %arg4: memref<4x256x256xf32, #tpu.memory_space<vmem>>, %arg5: memref<4x256x256xf32, #tpu.memory_space<vmem>>, %arg6: memref<4x32x256xf32, #tpu.memory_space<vmem>>, %arg7: memref<4x1x256xf32, #tpu.memory_space<vmem>>, %arg8: memref<4x1x256xf32, #tpu.memory_space<vmem>>, %arg9: memref<4x1x1xf32, #tpu.memory_space<vmem>>, %arg10: memref<512x16xf32, #tpu.memory_space<vmem>>, %arg11: memref<10240x16xf32, #tpu.memory_space<vmem>>) attributes {dimension_semantics = [#tpu.dimension_semantics<arbitrary>], iteration_bounds = array<i64: 320>, scalar_prefetch = 0 : i64, scratch_operands = 0 : i64, tpu.core_type = #tpu.core_type<tc>, window_params = [{transform_indices = @transform_0, window_bounds = array<i64: 512, 384>}, {transform_indices = @transform_1, window_bounds = array<i64: 512, 384>}, {transform_indices = @transform_2, window_bounds = array<i64: 512, 1>}, {pipeline_mode = #tpu.pipeline_mode<synchronous>, transform_indices = @transform_3, window_bounds = array<i64: 4, 256, 256>}, {pipeline_mode = #tpu.pipeline_mode<synchronous>, transform_indices = @transform_4, window_bounds = array<i64: 4, 256, 256>}, {pipeline_mode = #tpu.pipeline_mode<synchronous>, transform_indices = @transform_5, window_bounds = array<i64: 4, 32, 256>}, {pipeline_mode = #tpu.pipeline_mode<synchronous>, transform_indices = @transform_6, window_bounds = array<i64: 4, 1, 256>}, {pipeline_mode = #tpu.pipeline_mode<synchronous>, transform_indices = @transform_7, window_bounds = array<i64: 4, 1, 256>}, {pipeline_mode = #tpu.pipeline_mode<synchronous>, transform_indices = @transform_8, window_bounds = array<i64: 4, 1, 1>}, {transform_indices = @transform_9, window_bounds = array<i64: 512, 16>}, {pipeline_mode = #tpu.pipeline_mode<synchronous>, transform_indices = @transform_10, window_bounds = array<i64: 10240, 16>}]} {
    %eq3A = arith.constant 0 : i32
    %eq3A_0 = arith.cmpi eq, %arg0, %eq3A : i32
    %convert_element_type3A = arith.extui %eq3A_0 : i1 to i32
    %cond3A = arith.constant 0 : i32
    %cond3A_1 = arith.cmpi ne, %convert_element_type3A, %cond3A : i32
    scf.if %cond3A_1 {
      %broadcast_in_dim3A_429 = arith.constant 0.000000e+00 : f32
      %broadcast_in_dim3A_430 = vector.broadcast %broadcast_in_dim3A_429 : f32 to vector<10240x16xf32>
      %swap3A_431 = arith.constant 0 : index
      %swap3A_432 = arith.constant 0 : index
      %swap3A_433 = vector.load %arg11[%swap3A_431, %swap3A_432] : memref<10240x16xf32, #tpu.memory_space<vmem>>, vector<10240x16xf32>
      tpu.vector_store %arg11[%swap3A_431, %swap3A_432], %broadcast_in_dim3A_430 {strides = array<i32>} : memref<10240x16xf32, #tpu.memory_space<vmem>>, vector<10240x16xf32>,
    } else {
    }
    %get3A = arith.constant 0 : index
    %get3A_2 = arith.constant 0 : index
    %get3A_3 = vector.load %arg1[%get3A, %get3A_2] : memref<512x384xf32, #tpu.memory_space<vmem>>, vector<512x256xf32>
    %get3A_4 = arith.constant 0 : index
    %get3A_5 = arith.constant 0 : index
    %get3A_6 = vector.load %arg2[%get3A_4, %get3A_5] : memref<512x384xf32, #tpu.memory_space<vmem>>, vector<512x256xf32>
    %get3A_7 = arith.constant 0 : index
    %get3A_8 = arith.constant 256 : index
    %get3A_9 = vector.load %arg1[%get3A_7, %get3A_8] : memref<512x384xf32, #tpu.memory_space<vmem>>, vector<512x16xf32>
    %get3A_10 = arith.constant 0 : index
    %get3A_11 = arith.constant 256 : index
    %get3A_12 = vector.load %arg2[%get3A_10, %get3A_11] : memref<512x384xf32, #tpu.memory_space<vmem>>, vector<512x16xf32>
    %sub3A = arith.subf %get3A_12, %get3A_9 : vector<512x16xf32>
    %mul3A = arith.mulf %sub3A, %sub3A : vector<512x16xf32>
    %reduce_sum3A = arith.constant dense<0.000000e+00> : vector<512xf32>
    %reduce_sum3A_13 = vector.multi_reduction <add>, %mul3A, %reduce_sum3A [1] : vector<512x16xf32> to vector<512xf32>
    %broadcast_in_dim3A = vector.shape_cast %reduce_sum3A_13 : vector<512xf32> to vector<512x1xf32>
    %sqrt3A = math.sqrt %broadcast_in_dim3A : vector<512x1xf32>
    %add3A = arith.constant 9.99999993E-9 : f32
    %add3A_14 = vector.broadcast %add3A : f32 to vector<512x1xf32>
    %add3A_15 = arith.addf %sqrt3A, %add3A_14 : vector<512x1xf32>
    %div3A = arith.constant 1.000000e+00 : f32
    %div3A_16 = vector.broadcast %div3A : f32 to vector<512x1xf32>
    %div3A_17 = arith.divf %div3A_16, %add3A_15 : vector<512x1xf32>
    %mul3A_18 = vector.broadcast %div3A_17 : vector<512x1xf32> to vector<512x16xf32>
    %mul3A_19 = arith.mulf %sub3A, %mul3A_18 : vector<512x16xf32>
    %iota3A = tpu.iota {dimensions = array<i32: 1>} : vector<512x16xi32>
    %convert_element_type3A_20 = arith.sitofp %iota3A : vector<512x16xi32> to vector<512x16xf32>
    %mul3A_21 = arith.constant 0.533333361 : f32
    %mul3A_22 = vector.broadcast %mul3A_21 : f32 to vector<512x16xf32>
    %mul3A_23 = arith.mulf %convert_element_type3A_20, %mul3A_22 : vector<512x16xf32>
    %sub3A_24 = vector.broadcast %sqrt3A : vector<512x1xf32> to vector<512x16xf32>
    %sub3A_25 = arith.subf %sub3A_24, %mul3A_23 : vector<512x16xf32>
    %integer_pow3A = arith.mulf %sub3A_25, %sub3A_25 : vector<512x16xf32>
    %mul3A_26 = arith.constant -2.000000e+00 : f32
    %mul3A_27 = vector.broadcast %mul3A_26 : f32 to vector<512x16xf32>
    %mul3A_28 = arith.mulf %mul3A_27, %integer_pow3A : vector<512x16xf32>
    %exp3A = math.exp %mul3A_28 : vector<512x16xf32>
    %slice3A = vector.extract_strided_slice %mul3A_19 {offsets = [0, 0], sizes = [512, 3], strides = [1, 1]} : vector<512x16xf32> to vector<512x3xf32>
    %slice3A_29 = vector.extract_strided_slice %mul3A_19 {offsets = [0, 0], sizes = [512, 1], strides = [1, 1]} : vector<512x16xf32> to vector<512x1xf32>
    %slice3A_30 = vector.extract_strided_slice %mul3A_19 {offsets = [0, 1], sizes = [512, 1], strides = [1, 1]} : vector<512x16xf32> to vector<512x1xf32>
    %broadcast_in_dim3A_31 = arith.constant 0.000000e+00 : f32
    %broadcast_in_dim3A_32 = vector.broadcast %broadcast_in_dim3A_31 : f32 to vector<512x10xf32>
    %concatenate3A = tpu.concatenate %sqrt3A, %slice3A, %exp3A, %slice3A_29, %slice3A_30, %broadcast_in_dim3A_32 in 1 : vector<512x1xf32>, vector<512x3xf32>, vector<512x16xf32>, vector<512x1xf32>, vector<512x1xf32>, vector<512x10xf32> -> vector<512x32xf32>
    %get3A_33 = arith.constant 0 : index
    %get3A_34 = arith.constant 0 : index
    %get3A_35 = arith.constant 0 : index
    %get3A_36 = vector.load %arg4[%get3A_33, %get3A_34, %get3A_35] : memref<4x256x256xf32, #tpu.memory_space<vmem>>, vector<1x256x256xf32>
    %get3A_37 = vector.shape_cast %get3A_36 : vector<1x256x256xf32> to vector<256x256xf32>
    %dot_general3A = arith.constant dense<0.000000e+00> : vector<512x256xf32>
    %dot_general3A_38 = tpu.matmul %get3A_3, %get3A_37, %dot_general3A {dimension_numbers = #tpu.dot_dimension_numbers<[1], [0], [0], [1], [0, 0, 1, 1], [], []>, transpose_lhs_hint = false} : vector<512x256xf32>, vector<256x256xf32>, vector<512x256xf32> -> vector<512x256xf32>
    %get3A_39 = arith.constant 0 : index
    %get3A_40 = arith.constant 0 : index
    %get3A_41 = arith.constant 0 : index
    %get3A_42 = vector.load %arg5[%get3A_39, %get3A_40, %get3A_41] : memref<4x256x256xf32, #tpu.memory_space<vmem>>, vector<1x256x256xf32>
    %get3A_43 = vector.shape_cast %get3A_42 : vector<1x256x256xf32> to vector<256x256xf32>
    %dot_general3A_44 = arith.constant dense<0.000000e+00> : vector<512x256xf32>
    %dot_general3A_45 = tpu.matmul %get3A_6, %get3A_43, %dot_general3A_44 {dimension_numbers = #tpu.dot_dimension_numbers<[1], [0], [0], [1], [0, 0, 1, 1], [], []>, transpose_lhs_hint = false} : vector<512x256xf32>, vector<256x256xf32>, vector<512x256xf32> -> vector<512x256xf32>
    %add3A_46 = arith.addf %dot_general3A_38, %dot_general3A_45 : vector<512x256xf32>
    %get3A_47 = arith.constant 0 : index
    %get3A_48 = arith.constant 0 : index
    %get3A_49 = arith.constant 0 : index
    %get3A_50 = vector.load %arg6[%get3A_47, %get3A_48, %get3A_49] : memref<4x32x256xf32, #tpu.memory_space<vmem>>, vector<1x32x256xf32>
    %get3A_51 = vector.shape_cast %get3A_50 : vector<1x32x256xf32> to vector<32x256xf32>
    %dot_general3A_52 = arith.constant dense<0.000000e+00> : vector<512x256xf32>
    %dot_general3A_53 = tpu.matmul %concatenate3A, %get3A_51, %dot_general3A_52 {dimension_numbers = #tpu.dot_dimension_numbers<[1], [0], [0], [1], [0, 0, 1, 1], [], []>, transpose_lhs_hint = false} : vector<512x32xf32>, vector<32x256xf32>, vector<512x256xf32> -> vector<512x256xf32>
    %add3A_54 = arith.addf %add3A_46, %dot_general3A_53 : vector<512x256xf32>
    %get3A_55 = arith.constant 0 : index
    %get3A_56 = arith.constant 0 : index
    %get3A_57 = arith.constant 0 : index
    %get3A_58 = vector.load %arg7[%get3A_55, %get3A_56, %get3A_57] : memref<4x1x256xf32, #tpu.memory_space<vmem>>, vector<1x1x256xf32>
    %get3A_59 = vector.shape_cast %get3A_58 : vector<1x1x256xf32> to vector<1x256xf32>
    %add3A_60 = vector.broadcast %get3A_59 : vector<1x256xf32> to vector<512x256xf32>
    %add3A_61 = arith.addf %add3A_54, %add3A_60 : vector<512x256xf32>
    %logistic3A = arith.negf %add3A_61 : vector<512x256xf32>
    %logistic3A_62 = math.exp %logistic3A : vector<512x256xf32>
    %logistic3A_63 = arith.constant 1.000000e+00 : f32
    %logistic3A_64 = vector.broadcast %logistic3A_63 : f32 to vector<512x256xf32>
    %logistic3A_65 = arith.addf %logistic3A_64, %logistic3A_62 : vector<512x256xf32>
    %logistic3A_66 = arith.divf %logistic3A_64, %logistic3A_65 : vector<512x256xf32>
    %mul3A_67 = arith.mulf %add3A_61, %logistic3A_66 : vector<512x256xf32>
    %get3A_68 = arith.constant 0 : index
    %get3A_69 = arith.constant 0 : index
    %get3A_70 = arith.constant 0 : index
    %get3A_71 = vector.load %arg8[%get3A_68, %get3A_69, %get3A_70] : memref<4x1x256xf32, #tpu.memory_space<vmem>>, vector<1x1x256xf32>
    %get3A_72 = vector.shape_cast %get3A_71 : vector<1x1x256xf32> to vector<1x256xf32>
    %mul3A_73 = vector.broadcast %get3A_72 : vector<1x256xf32> to vector<512x256xf32>
    %mul3A_74 = arith.mulf %mul3A_67, %mul3A_73 : vector<512x256xf32>
    %reduce_sum3A_75 = arith.constant dense<0.000000e+00> : vector<512xf32>
    %reduce_sum3A_76 = vector.multi_reduction <add>, %mul3A_74, %reduce_sum3A_75 [1] : vector<512x256xf32> to vector<512xf32>
    %broadcast_in_dim3A_77 = vector.shape_cast %reduce_sum3A_76 : vector<512xf32> to vector<512x1xf32>
    %get3A_78 = arith.constant 0 : index
    %get3A_79 = arith.constant 0 : index
    %get3A_80 = arith.constant 0 : index
    %get3A_81 = vector.load %arg9[%get3A_78, %get3A_79, %get3A_80] : memref<4x1x1xf32, #tpu.memory_space<vmem>>, vector<1x1x1xf32>
    %get3A_82 = vector.shape_cast %get3A_81 : vector<1x1x1xf32> to vector<1x1xf32>
    %add3A_83 = vector.broadcast %get3A_82 : vector<1x1xf32> to vector<512x1xf32>
    %add3A_84 = arith.addf %broadcast_in_dim3A_77, %add3A_83 : vector<512x1xf32>
    %exp3A_85 = math.exp %add3A_84 : vector<512x1xf32>
    %get3A_86 = arith.constant 1 : index
    %get3A_87 = arith.constant 0 : index
    %get3A_88 = arith.constant 0 : index
    %get3A_89 = vector.load %arg4[%get3A_86, %get3A_87, %get3A_88] : memref<4x256x256xf32, #tpu.memory_space<vmem>>, vector<1x256x256xf32>
    %get3A_90 = vector.shape_cast %get3A_89 : vector<1x256x256xf32> to vector<256x256xf32>
    %dot_general3A_91 = arith.constant dense<0.000000e+00> : vector<512x256xf32>
    %dot_general3A_92 = tpu.matmul %get3A_3, %get3A_90, %dot_general3A_91 {dimension_numbers = #tpu.dot_dimension_numbers<[1], [0], [0], [1], [0, 0, 1, 1], [], []>, transpose_lhs_hint = false} : vector<512x256xf32>, vector<256x256xf32>, vector<512x256xf32> -> vector<512x256xf32>
    %get3A_93 = arith.constant 1 : index
    %get3A_94 = arith.constant 0 : index
    %get3A_95 = arith.constant 0 : index
    %get3A_96 = vector.load %arg5[%get3A_93, %get3A_94, %get3A_95] : memref<4x256x256xf32, #tpu.memory_space<vmem>>, vector<1x256x256xf32>
    %get3A_97 = vector.shape_cast %get3A_96 : vector<1x256x256xf32> to vector<256x256xf32>
    %dot_general3A_98 = arith.constant dense<0.000000e+00> : vector<512x256xf32>
    %dot_general3A_99 = tpu.matmul %get3A_6, %get3A_97, %dot_general3A_98 {dimension_numbers = #tpu.dot_dimension_numbers<[1], [0], [0], [1], [0, 0, 1, 1], [], []>, transpose_lhs_hint = false} : vector<512x256xf32>, vector<256x256xf32>, vector<512x256xf32> -> vector<512x256xf32>
    %add3A_100 = arith.addf %dot_general3A_92, %dot_general3A_99 : vector<512x256xf32>
    %get3A_101 = arith.constant 1 : index
    %get3A_102 = arith.constant 0 : index
    %get3A_103 = arith.constant 0 : index
    %get3A_104 = vector.load %arg6[%get3A_101, %get3A_102, %get3A_103] : memref<4x32x256xf32, #tpu.memory_space<vmem>>, vector<1x32x256xf32>
    %get3A_105 = vector.shape_cast %get3A_104 : vector<1x32x256xf32> to vector<32x256xf32>
    %dot_general3A_106 = arith.constant dense<0.000000e+00> : vector<512x256xf32>
    %dot_general3A_107 = tpu.matmul %concatenate3A, %get3A_105, %dot_general3A_106 {dimension_numbers = #tpu.dot_dimension_numbers<[1], [0], [0], [1], [0, 0, 1, 1], [], []>, transpose_lhs_hint = false} : vector<512x32xf32>, vector<32x256xf32>, vector<512x256xf32> -> vector<512x256xf32>
    %add3A_108 = arith.addf %add3A_100, %dot_general3A_107 : vector<512x256xf32>
    %get3A_109 = arith.constant 1 : index
    %get3A_110 = arith.constant 0 : index
    %get3A_111 = arith.constant 0 : index
    %get3A_112 = vector.load %arg7[%get3A_109, %get3A_110, %get3A_111] : memref<4x1x256xf32, #tpu.memory_space<vmem>>, vector<1x1x256xf32>
    %get3A_113 = vector.shape_cast %get3A_112 : vector<1x1x256xf32> to vector<1x256xf32>
    %add3A_114 = vector.broadcast %get3A_113 : vector<1x256xf32> to vector<512x256xf32>
    %add3A_115 = arith.addf %add3A_108, %add3A_114 : vector<512x256xf32>
    %logistic3A_116 = arith.negf %add3A_115 : vector<512x256xf32>
    %logistic3A_117 = math.exp %logistic3A_116 : vector<512x256xf32>
    %logistic3A_118 = arith.constant 1.000000e+00 : f32
    %logistic3A_119 = vector.broadcast %logistic3A_118 : f32 to vector<512x256xf32>
    %logistic3A_120 = arith.addf %logistic3A_119, %logistic3A_117 : vector<512x256xf32>
    %logistic3A_121 = arith.divf %logistic3A_119, %logistic3A_120 : vector<512x256xf32>
    %mul3A_122 = arith.mulf %add3A_115, %logistic3A_121 : vector<512x256xf32>
    %get3A_123 = arith.constant 1 : index
    %get3A_124 = arith.constant 0 : index
    %get3A_125 = arith.constant 0 : index
    %get3A_126 = vector.load %arg8[%get3A_123, %get3A_124, %get3A_125] : memref<4x1x256xf32, #tpu.memory_space<vmem>>, vector<1x1x256xf32>
    %get3A_127 = vector.shape_cast %get3A_126 : vector<1x1x256xf32> to vector<1x256xf32>
    %mul3A_128 = vector.broadcast %get3A_127 : vector<1x256xf32> to vector<512x256xf32>
    %mul3A_129 = arith.mulf %mul3A_122, %mul3A_128 : vector<512x256xf32>
    %reduce_sum3A_130 = arith.constant dense<0.000000e+00> : vector<512xf32>
    %reduce_sum3A_131 = vector.multi_reduction <add>, %mul3A_129, %reduce_sum3A_130 [1] : vector<512x256xf32> to vector<512xf32>
    %broadcast_in_dim3A_132 = vector.shape_cast %reduce_sum3A_131 : vector<512xf32> to vector<512x1xf32>
    %get3A_133 = arith.constant 1 : index
    %get3A_134 = arith.constant 0 : index
    %get3A_135 = arith.constant 0 : index
    %get3A_136 = vector.load %arg9[%get3A_133, %get3A_134, %get3A_135] : memref<4x1x1xf32, #tpu.memory_space<vmem>>, vector<1x1x1xf32>
    %get3A_137 = vector.shape_cast %get3A_136 : vector<1x1x1xf32> to vector<1x1xf32>
    %add3A_138 = vector.broadcast %get3A_137 : vector<1x1xf32> to vector<512x1xf32>
    %add3A_139 = arith.addf %broadcast_in_dim3A_132, %add3A_138 : vector<512x1xf32>
    %exp3A_140 = math.exp %add3A_139 : vector<512x1xf32>
    %get3A_141 = arith.constant 2 : index
    %get3A_142 = arith.constant 0 : index
    %get3A_143 = arith.constant 0 : index
    %get3A_144 = vector.load %arg4[%get3A_141, %get3A_142, %get3A_143] : memref<4x256x256xf32, #tpu.memory_space<vmem>>, vector<1x256x256xf32>
    %get3A_145 = vector.shape_cast %get3A_144 : vector<1x256x256xf32> to vector<256x256xf32>
    %dot_general3A_146 = arith.constant dense<0.000000e+00> : vector<512x256xf32>
    %dot_general3A_147 = tpu.matmul %get3A_3, %get3A_145, %dot_general3A_146 {dimension_numbers = #tpu.dot_dimension_numbers<[1], [0], [0], [1], [0, 0, 1, 1], [], []>, transpose_lhs_hint = false} : vector<512x256xf32>, vector<256x256xf32>, vector<512x256xf32> -> vector<512x256xf32>
    %get3A_148 = arith.constant 2 : index
    %get3A_149 = arith.constant 0 : index
    %get3A_150 = arith.constant 0 : index
    %get3A_151 = vector.load %arg5[%get3A_148, %get3A_149, %get3A_150] : memref<4x256x256xf32, #tpu.memory_space<vmem>>, vector<1x256x256xf32>
    %get3A_152 = vector.shape_cast %get3A_151 : vector<1x256x256xf32> to vector<256x256xf32>
    %dot_general3A_153 = arith.constant dense<0.000000e+00> : vector<512x256xf32>
    %dot_general3A_154 = tpu.matmul %get3A_6, %get3A_152, %dot_general3A_153 {dimension_numbers = #tpu.dot_dimension_numbers<[1], [0], [0], [1], [0, 0, 1, 1], [], []>, transpose_lhs_hint = false} : vector<512x256xf32>, vector<256x256xf32>, vector<512x256xf32> -> vector<512x256xf32>
    %add3A_155 = arith.addf %dot_general3A_147, %dot_general3A_154 : vector<512x256xf32>
    %get3A_156 = arith.constant 2 : index
    %get3A_157 = arith.constant 0 : index
    %get3A_158 = arith.constant 0 : index
    %get3A_159 = vector.load %arg6[%get3A_156, %get3A_157, %get3A_158] : memref<4x32x256xf32, #tpu.memory_space<vmem>>, vector<1x32x256xf32>
    %get3A_160 = vector.shape_cast %get3A_159 : vector<1x32x256xf32> to vector<32x256xf32>
    %dot_general3A_161 = arith.constant dense<0.000000e+00> : vector<512x256xf32>
    %dot_general3A_162 = tpu.matmul %concatenate3A, %get3A_160, %dot_general3A_161 {dimension_numbers = #tpu.dot_dimension_numbers<[1], [0], [0], [1], [0, 0, 1, 1], [], []>, transpose_lhs_hint = false} : vector<512x32xf32>, vector<32x256xf32>, vector<512x256xf32> -> vector<512x256xf32>
    %add3A_163 = arith.addf %add3A_155, %dot_general3A_162 : vector<512x256xf32>
    %get3A_164 = arith.constant 2 : index
    %get3A_165 = arith.constant 0 : index
    %get3A_166 = arith.constant 0 : index
    %get3A_167 = vector.load %arg7[%get3A_164, %get3A_165, %get3A_166] : memref<4x1x256xf32, #tpu.memory_space<vmem>>, vector<1x1x256xf32>
    %get3A_168 = vector.shape_cast %get3A_167 : vector<1x1x256xf32> to vector<1x256xf32>
    %add3A_169 = vector.broadcast %get3A_168 : vector<1x256xf32> to vector<512x256xf32>
    %add3A_170 = arith.addf %add3A_163, %add3A_169 : vector<512x256xf32>
    %logistic3A_171 = arith.negf %add3A_170 : vector<512x256xf32>
    %logistic3A_172 = math.exp %logistic3A_171 : vector<512x256xf32>
    %logistic3A_173 = arith.constant 1.000000e+00 : f32
    %logistic3A_174 = vector.broadcast %logistic3A_173 : f32 to vector<512x256xf32>
    %logistic3A_175 = arith.addf %logistic3A_174, %logistic3A_172 : vector<512x256xf32>
    %logistic3A_176 = arith.divf %logistic3A_174, %logistic3A_175 : vector<512x256xf32>
    %mul3A_177 = arith.mulf %add3A_170, %logistic3A_176 : vector<512x256xf32>
    %get3A_178 = arith.constant 2 : index
    %get3A_179 = arith.constant 0 : index
    %get3A_180 = arith.constant 0 : index
    %get3A_181 = vector.load %arg8[%get3A_178, %get3A_179, %get3A_180] : memref<4x1x256xf32, #tpu.memory_space<vmem>>, vector<1x1x256xf32>
    %get3A_182 = vector.shape_cast %get3A_181 : vector<1x1x256xf32> to vector<1x256xf32>
    %mul3A_183 = vector.broadcast %get3A_182 : vector<1x256xf32> to vector<512x256xf32>
    %mul3A_184 = arith.mulf %mul3A_177, %mul3A_183 : vector<512x256xf32>
    %reduce_sum3A_185 = arith.constant dense<0.000000e+00> : vector<512xf32>
    %reduce_sum3A_186 = vector.multi_reduction <add>, %mul3A_184, %reduce_sum3A_185 [1] : vector<512x256xf32> to vector<512xf32>
    %broadcast_in_dim3A_187 = vector.shape_cast %reduce_sum3A_186 : vector<512xf32> to vector<512x1xf32>
    %get3A_188 = arith.constant 2 : index
    %get3A_189 = arith.constant 0 : index
    %get3A_190 = arith.constant 0 : index
    %get3A_191 = vector.load %arg9[%get3A_188, %get3A_189, %get3A_190] : memref<4x1x1xf32, #tpu.memory_space<vmem>>, vector<1x1x1xf32>
    %get3A_192 = vector.shape_cast %get3A_191 : vector<1x1x1xf32> to vector<1x1xf32>
    %add3A_193 = vector.broadcast %get3A_192 : vector<1x1xf32> to vector<512x1xf32>
    %add3A_194 = arith.addf %broadcast_in_dim3A_187, %add3A_193 : vector<512x1xf32>
    %exp3A_195 = math.exp %add3A_194 : vector<512x1xf32>
    %get3A_196 = arith.constant 3 : index
    %get3A_197 = arith.constant 0 : index
    %get3A_198 = arith.constant 0 : index
    %get3A_199 = vector.load %arg4[%get3A_196, %get3A_197, %get3A_198] : memref<4x256x256xf32, #tpu.memory_space<vmem>>, vector<1x256x256xf32>
    %get3A_200 = vector.shape_cast %get3A_199 : vector<1x256x256xf32> to vector<256x256xf32>
    %dot_general3A_201 = arith.constant dense<0.000000e+00> : vector<512x256xf32>
    %dot_general3A_202 = tpu.matmul %get3A_3, %get3A_200, %dot_general3A_201 {dimension_numbers = #tpu.dot_dimension_numbers<[1], [0], [0], [1], [0, 0, 1, 1], [], []>, transpose_lhs_hint = false} : vector<512x256xf32>, vector<256x256xf32>, vector<512x256xf32> -> vector<512x256xf32>
    %get3A_203 = arith.constant 3 : index
    %get3A_204 = arith.constant 0 : index
    %get3A_205 = arith.constant 0 : index
    %get3A_206 = vector.load %arg5[%get3A_203, %get3A_204, %get3A_205] : memref<4x256x256xf32, #tpu.memory_space<vmem>>, vector<1x256x256xf32>
    %get3A_207 = vector.shape_cast %get3A_206 : vector<1x256x256xf32> to vector<256x256xf32>
    %dot_general3A_208 = arith.constant dense<0.000000e+00> : vector<512x256xf32>
    %dot_general3A_209 = tpu.matmul %get3A_6, %get3A_207, %dot_general3A_208 {dimension_numbers = #tpu.dot_dimension_numbers<[1], [0], [0], [1], [0, 0, 1, 1], [], []>, transpose_lhs_hint = false} : vector<512x256xf32>, vector<256x256xf32>, vector<512x256xf32> -> vector<512x256xf32>
    %add3A_210 = arith.addf %dot_general3A_202, %dot_general3A_209 : vector<512x256xf32>
    %get3A_211 = arith.constant 3 : index
    %get3A_212 = arith.constant 0 : index
    %get3A_213 = arith.constant 0 : index
    %get3A_214 = vector.load %arg6[%get3A_211, %get3A_212, %get3A_213] : memref<4x32x256xf32, #tpu.memory_space<vmem>>, vector<1x32x256xf32>
    %get3A_215 = vector.shape_cast %get3A_214 : vector<1x32x256xf32> to vector<32x256xf32>
    %dot_general3A_216 = arith.constant dense<0.000000e+00> : vector<512x256xf32>
    %dot_general3A_217 = tpu.matmul %concatenate3A, %get3A_215, %dot_general3A_216 {dimension_numbers = #tpu.dot_dimension_numbers<[1], [0], [0], [1], [0, 0, 1, 1], [], []>, transpose_lhs_hint = false} : vector<512x32xf32>, vector<32x256xf32>, vector<512x256xf32> -> vector<512x256xf32>
    %add3A_218 = arith.addf %add3A_210, %dot_general3A_217 : vector<512x256xf32>
    %get3A_219 = arith.constant 3 : index
    %get3A_220 = arith.constant 0 : index
    %get3A_221 = arith.constant 0 : index
    %get3A_222 = vector.load %arg7[%get3A_219, %get3A_220, %get3A_221] : memref<4x1x256xf32, #tpu.memory_space<vmem>>, vector<1x1x256xf32>
    %get3A_223 = vector.shape_cast %get3A_222 : vector<1x1x256xf32> to vector<1x256xf32>
    %add3A_224 = vector.broadcast %get3A_223 : vector<1x256xf32> to vector<512x256xf32>
    %add3A_225 = arith.addf %add3A_218, %add3A_224 : vector<512x256xf32>
    %logistic3A_226 = arith.negf %add3A_225 : vector<512x256xf32>
    %logistic3A_227 = math.exp %logistic3A_226 : vector<512x256xf32>
    %logistic3A_228 = arith.constant 1.000000e+00 : f32
    %logistic3A_229 = vector.broadcast %logistic3A_228 : f32 to vector<512x256xf32>
    %logistic3A_230 = arith.addf %logistic3A_229, %logistic3A_227 : vector<512x256xf32>
    %logistic3A_231 = arith.divf %logistic3A_229, %logistic3A_230 : vector<512x256xf32>
    %mul3A_232 = arith.mulf %add3A_225, %logistic3A_231 : vector<512x256xf32>
    %get3A_233 = arith.constant 3 : index
    %get3A_234 = arith.constant 0 : index
    %get3A_235 = arith.constant 0 : index
    %get3A_236 = vector.load %arg8[%get3A_233, %get3A_234, %get3A_235] : memref<4x1x256xf32, #tpu.memory_space<vmem>>, vector<1x1x256xf32>
    %get3A_237 = vector.shape_cast %get3A_236 : vector<1x1x256xf32> to vector<1x256xf32>
    %mul3A_238 = vector.broadcast %get3A_237 : vector<1x256xf32> to vector<512x256xf32>
    %mul3A_239 = arith.mulf %mul3A_232, %mul3A_238 : vector<512x256xf32>
    %reduce_sum3A_240 = arith.constant dense<0.000000e+00> : vector<512xf32>
    %reduce_sum3A_241 = vector.multi_reduction <add>, %mul3A_239, %reduce_sum3A_240 [1] : vector<512x256xf32> to vector<512xf32>
    %broadcast_in_dim3A_242 = vector.shape_cast %reduce_sum3A_241 : vector<512xf32> to vector<512x1xf32>
    %get3A_243 = arith.constant 3 : index
    %get3A_244 = arith.constant 0 : index
    %get3A_245 = arith.constant 0 : index
    %get3A_246 = vector.load %arg9[%get3A_243, %get3A_244, %get3A_245] : memref<4x1x1xf32, #tpu.memory_space<vmem>>, vector<1x1x1xf32>
    %get3A_247 = vector.shape_cast %get3A_246 : vector<1x1x1xf32> to vector<1x1xf32>
    %add3A_248 = vector.broadcast %get3A_247 : vector<1x1xf32> to vector<512x1xf32>
    %add3A_249 = arith.addf %broadcast_in_dim3A_242, %add3A_248 : vector<512x1xf32>
    %exp3A_250 = math.exp %add3A_249 : vector<512x1xf32>
    %broadcast_in_dim3A_251 = arith.constant 0.000000e+00 : f32
    %broadcast_in_dim3A_252 = vector.broadcast %broadcast_in_dim3A_251 : f32 to vector<512x12xf32>
    %concatenate3A_253 = tpu.concatenate %exp3A_85, %exp3A_140, %exp3A_195, %exp3A_250, %broadcast_in_dim3A_252 in 1 : vector<512x1xf32>, vector<512x1xf32>, vector<512x1xf32>, vector<512x1xf32>, vector<512x12xf32> -> vector<512x16xf32>
    %swap3A = arith.constant 0 : index
    %swap3A_254 = arith.constant 0 : index
    %swap3A_255 = vector.load %arg10[%swap3A, %swap3A_254] : memref<512x16xf32, #tpu.memory_space<vmem>>, vector<512x16xf32>
    tpu.vector_store %arg10[%swap3A, %swap3A_254], %concatenate3A_253 {strides = array<i32>} : memref<512x16xf32, #tpu.memory_space<vmem>>, vector<512x16xf32>,
    %get3A_256 = arith.constant 0 : index
    %get3A_257 = arith.constant 0 : index
    %get3A_258 = vector.load %arg3[%get3A_256, %get3A_257] : memref<512x1xi32, #tpu.memory_space<vmem>>, vector<512x1xi32>
    %iota3A_259 = tpu.iota {dimensions = array<i32: 1>} : vector<512x1024xi32>
    %add3A_260 = arith.constant 0 : i32
    %add3A_261 = vector.broadcast %add3A_260 : i32 to vector<512x1024xi32>
    %add3A_262 = arith.addi %iota3A_259, %add3A_261 : vector<512x1024xi32>
    %eq3A_263 = vector.broadcast %get3A_258 : vector<512x1xi32> to vector<512x1024xi32>
    %eq3A_264 = arith.cmpi eq, %eq3A_263, %add3A_262 : vector<512x1024xi32>
    %convert_element_type3A_265 = arith.extui %eq3A_264 : vector<512x1024xi1> to vector<512x1024xi32>
    %convert_element_type3A_266 = arith.sitofp %convert_element_type3A_265 : vector<512x1024xi32> to vector<512x1024xf32>
    %dot_general3A_267 = arith.constant dense<0.000000e+00> : vector<1024x16xf32>
    %dot_general3A_268 = tpu.matmul %convert_element_type3A_266, %concatenate3A_253, %dot_general3A_267 {dimension_numbers = #tpu.dot_dimension_numbers<[0], [0], [1], [1], [0, 1, 1, 1], [], []>, transpose_lhs_hint = false} : vector<512x1024xf32>, vector<512x16xf32>, vector<1024x16xf32> -> vector<1024x16xf32>
    %get3A_269 = arith.constant 0 : index
    %get3A_270 = arith.constant 0 : index
    %get3A_271 = vector.load %arg11[%get3A_269, %get3A_270] : memref<10240x16xf32, #tpu.memory_space<vmem>>, vector<1024x16xf32>
    %add3A_272 = arith.addf %get3A_271, %dot_general3A_268 : vector<1024x16xf32>
    %swap3A_273 = arith.constant 0 : index
    %swap3A_274 = arith.constant 0 : index
    %swap3A_275 = vector.load %arg11[%swap3A_273, %swap3A_274] : memref<10240x16xf32, #tpu.memory_space<vmem>>, vector<1024x16xf32>
    tpu.vector_store %arg11[%swap3A_273, %swap3A_274], %add3A_272 {strides = array<i32>} : memref<10240x16xf32, #tpu.memory_space<vmem>>, vector<1024x16xf32>,
    %iota3A_276 = tpu.iota {dimensions = array<i32: 1>} : vector<512x1024xi32>
    %add3A_277 = arith.constant 1024 : i32
    %add3A_278 = vector.broadcast %add3A_277 : i32 to vector<512x1024xi32>
    %add3A_279 = arith.addi %iota3A_276, %add3A_278 : vector<512x1024xi32>
    %eq3A_280 = vector.broadcast %get3A_258 : vector<512x1xi32> to vector<512x1024xi32>
    %eq3A_281 = arith.cmpi eq, %eq3A_280, %add3A_279 : vector<512x1024xi32>
    %convert_element_type3A_282 = arith.extui %eq3A_281 : vector<512x1024xi1> to vector<512x1024xi32>
    %convert_element_type3A_283 = arith.sitofp %convert_element_type3A_282 : vector<512x1024xi32> to vector<512x1024xf32>
    %dot_general3A_284 = arith.constant dense<0.000000e+00> : vector<1024x16xf32>
    %dot_general3A_285 = tpu.matmul %convert_element_type3A_283, %concatenate3A_253, %dot_general3A_284 {dimension_numbers = #tpu.dot_dimension_numbers<[0], [0], [1], [1], [0, 1, 1, 1], [], []>, transpose_lhs_hint = false} : vector<512x1024xf32>, vector<512x16xf32>, vector<1024x16xf32> -> vector<1024x16xf32>
    %get3A_286 = arith.constant 1024 : index
    %get3A_287 = arith.constant 0 : index
    %get3A_288 = vector.load %arg11[%get3A_286, %get3A_287] : memref<10240x16xf32, #tpu.memory_space<vmem>>, vector<1024x16xf32>
    %add3A_289 = arith.addf %get3A_288, %dot_general3A_285 : vector<1024x16xf32>
    %swap3A_290 = arith.constant 1024 : index
    %swap3A_291 = arith.constant 0 : index
    %swap3A_292 = vector.load %arg11[%swap3A_290, %swap3A_291] : memref<10240x16xf32, #tpu.memory_space<vmem>>, vector<1024x16xf32>
    tpu.vector_store %arg11[%swap3A_290, %swap3A_291], %add3A_289 {strides = array<i32>} : memref<10240x16xf32, #tpu.memory_space<vmem>>, vector<1024x16xf32>,
    %iota3A_293 = tpu.iota {dimensions = array<i32: 1>} : vector<512x1024xi32>
    %add3A_294 = arith.constant 2048 : i32
    %add3A_295 = vector.broadcast %add3A_294 : i32 to vector<512x1024xi32>
    %add3A_296 = arith.addi %iota3A_293, %add3A_295 : vector<512x1024xi32>
    %eq3A_297 = vector.broadcast %get3A_258 : vector<512x1xi32> to vector<512x1024xi32>
    %eq3A_298 = arith.cmpi eq, %eq3A_297, %add3A_296 : vector<512x1024xi32>
    %convert_element_type3A_299 = arith.extui %eq3A_298 : vector<512x1024xi1> to vector<512x1024xi32>
    %convert_element_type3A_300 = arith.sitofp %convert_element_type3A_299 : vector<512x1024xi32> to vector<512x1024xf32>
    %dot_general3A_301 = arith.constant dense<0.000000e+00> : vector<1024x16xf32>
    %dot_general3A_302 = tpu.matmul %convert_element_type3A_300, %concatenate3A_253, %dot_general3A_301 {dimension_numbers = #tpu.dot_dimension_numbers<[0], [0], [1], [1], [0, 1, 1, 1], [], []>, transpose_lhs_hint = false} : vector<512x1024xf32>, vector<512x16xf32>, vector<1024x16xf32> -> vector<1024x16xf32>
    %get3A_303 = arith.constant 2048 : index
    %get3A_304 = arith.constant 0 : index
    %get3A_305 = vector.load %arg11[%get3A_303, %get3A_304] : memref<10240x16xf32, #tpu.memory_space<vmem>>, vector<1024x16xf32>
    %add3A_306 = arith.addf %get3A_305, %dot_general3A_302 : vector<1024x16xf32>
    %swap3A_307 = arith.constant 2048 : index
    %swap3A_308 = arith.constant 0 : index
    %swap3A_309 = vector.load %arg11[%swap3A_307, %swap3A_308] : memref<10240x16xf32, #tpu.memory_space<vmem>>, vector<1024x16xf32>
    tpu.vector_store %arg11[%swap3A_307, %swap3A_308], %add3A_306 {strides = array<i32>} : memref<10240x16xf32, #tpu.memory_space<vmem>>, vector<1024x16xf32>,
    %iota3A_310 = tpu.iota {dimensions = array<i32: 1>} : vector<512x1024xi32>
    %add3A_311 = arith.constant 3072 : i32
    %add3A_312 = vector.broadcast %add3A_311 : i32 to vector<512x1024xi32>
    %add3A_313 = arith.addi %iota3A_310, %add3A_312 : vector<512x1024xi32>
    %eq3A_314 = vector.broadcast %get3A_258 : vector<512x1xi32> to vector<512x1024xi32>
    %eq3A_315 = arith.cmpi eq, %eq3A_314, %add3A_313 : vector<512x1024xi32>
    %convert_element_type3A_316 = arith.extui %eq3A_315 : vector<512x1024xi1> to vector<512x1024xi32>
    %convert_element_type3A_317 = arith.sitofp %convert_element_type3A_316 : vector<512x1024xi32> to vector<512x1024xf32>
    %dot_general3A_318 = arith.constant dense<0.000000e+00> : vector<1024x16xf32>
    %dot_general3A_319 = tpu.matmul %convert_element_type3A_317, %concatenate3A_253, %dot_general3A_318 {dimension_numbers = #tpu.dot_dimension_numbers<[0], [0], [1], [1], [0, 1, 1, 1], [], []>, transpose_lhs_hint = false} : vector<512x1024xf32>, vector<512x16xf32>, vector<1024x16xf32> -> vector<1024x16xf32>
    %get3A_320 = arith.constant 3072 : index
    %get3A_321 = arith.constant 0 : index
    %get3A_322 = vector.load %arg11[%get3A_320, %get3A_321] : memref<10240x16xf32, #tpu.memory_space<vmem>>, vector<1024x16xf32>
    %add3A_323 = arith.addf %get3A_322, %dot_general3A_319 : vector<1024x16xf32>
    %swap3A_324 = arith.constant 3072 : index
    %swap3A_325 = arith.constant 0 : index
    %swap3A_326 = vector.load %arg11[%swap3A_324, %swap3A_325] : memref<10240x16xf32, #tpu.memory_space<vmem>>, vector<1024x16xf32>
    tpu.vector_store %arg11[%swap3A_324, %swap3A_325], %add3A_323 {strides = array<i32>} : memref<10240x16xf32, #tpu.memory_space<vmem>>, vector<1024x16xf32>,
    %iota3A_327 = tpu.iota {dimensions = array<i32: 1>} : vector<512x1024xi32>
    %add3A_328 = arith.constant 4096 : i32
    %add3A_329 = vector.broadcast %add3A_328 : i32 to vector<512x1024xi32>
    %add3A_330 = arith.addi %iota3A_327, %add3A_329 : vector<512x1024xi32>
    %eq3A_331 = vector.broadcast %get3A_258 : vector<512x1xi32> to vector<512x1024xi32>
    %eq3A_332 = arith.cmpi eq, %eq3A_331, %add3A_330 : vector<512x1024xi32>
    %convert_element_type3A_333 = arith.extui %eq3A_332 : vector<512x1024xi1> to vector<512x1024xi32>
    %convert_element_type3A_334 = arith.sitofp %convert_element_type3A_333 : vector<512x1024xi32> to vector<512x1024xf32>
    %dot_general3A_335 = arith.constant dense<0.000000e+00> : vector<1024x16xf32>
    %dot_general3A_336 = tpu.matmul %convert_element_type3A_334, %concatenate3A_253, %dot_general3A_335 {dimension_numbers = #tpu.dot_dimension_numbers<[0], [0], [1], [1], [0, 1, 1, 1], [], []>, transpose_lhs_hint = false} : vector<512x1024xf32>, vector<512x16xf32>, vector<1024x16xf32> -> vector<1024x16xf32>
    %get3A_337 = arith.constant 4096 : index
    %get3A_338 = arith.constant 0 : index
    %get3A_339 = vector.load %arg11[%get3A_337, %get3A_338] : memref<10240x16xf32, #tpu.memory_space<vmem>>, vector<1024x16xf32>
    %add3A_340 = arith.addf %get3A_339, %dot_general3A_336 : vector<1024x16xf32>
    %swap3A_341 = arith.constant 4096 : index
    %swap3A_342 = arith.constant 0 : index
    %swap3A_343 = vector.load %arg11[%swap3A_341, %swap3A_342] : memref<10240x16xf32, #tpu.memory_space<vmem>>, vector<1024x16xf32>
    tpu.vector_store %arg11[%swap3A_341, %swap3A_342], %add3A_340 {strides = array<i32>} : memref<10240x16xf32, #tpu.memory_space<vmem>>, vector<1024x16xf32>,
    %iota3A_344 = tpu.iota {dimensions = array<i32: 1>} : vector<512x1024xi32>
    %add3A_345 = arith.constant 5120 : i32
    %add3A_346 = vector.broadcast %add3A_345 : i32 to vector<512x1024xi32>
    %add3A_347 = arith.addi %iota3A_344, %add3A_346 : vector<512x1024xi32>
    %eq3A_348 = vector.broadcast %get3A_258 : vector<512x1xi32> to vector<512x1024xi32>
    %eq3A_349 = arith.cmpi eq, %eq3A_348, %add3A_347 : vector<512x1024xi32>
    %convert_element_type3A_350 = arith.extui %eq3A_349 : vector<512x1024xi1> to vector<512x1024xi32>
    %convert_element_type3A_351 = arith.sitofp %convert_element_type3A_350 : vector<512x1024xi32> to vector<512x1024xf32>
    %dot_general3A_352 = arith.constant dense<0.000000e+00> : vector<1024x16xf32>
    %dot_general3A_353 = tpu.matmul %convert_element_type3A_351, %concatenate3A_253, %dot_general3A_352 {dimension_numbers = #tpu.dot_dimension_numbers<[0], [0], [1], [1], [0, 1, 1, 1], [], []>, transpose_lhs_hint = false} : vector<512x1024xf32>, vector<512x16xf32>, vector<1024x16xf32> -> vector<1024x16xf32>
    %get3A_354 = arith.constant 5120 : index
    %get3A_355 = arith.constant 0 : index
    %get3A_356 = vector.load %arg11[%get3A_354, %get3A_355] : memref<10240x16xf32, #tpu.memory_space<vmem>>, vector<1024x16xf32>
    %add3A_357 = arith.addf %get3A_356, %dot_general3A_353 : vector<1024x16xf32>
    %swap3A_358 = arith.constant 5120 : index
    %swap3A_359 = arith.constant 0 : index
    %swap3A_360 = vector.load %arg11[%swap3A_358, %swap3A_359] : memref<10240x16xf32, #tpu.memory_space<vmem>>, vector<1024x16xf32>
    tpu.vector_store %arg11[%swap3A_358, %swap3A_359], %add3A_357 {strides = array<i32>} : memref<10240x16xf32, #tpu.memory_space<vmem>>, vector<1024x16xf32>,
    %iota3A_361 = tpu.iota {dimensions = array<i32: 1>} : vector<512x1024xi32>
    %add3A_362 = arith.constant 6144 : i32
    %add3A_363 = vector.broadcast %add3A_362 : i32 to vector<512x1024xi32>
    %add3A_364 = arith.addi %iota3A_361, %add3A_363 : vector<512x1024xi32>
    %eq3A_365 = vector.broadcast %get3A_258 : vector<512x1xi32> to vector<512x1024xi32>
    %eq3A_366 = arith.cmpi eq, %eq3A_365, %add3A_364 : vector<512x1024xi32>
    %convert_element_type3A_367 = arith.extui %eq3A_366 : vector<512x1024xi1> to vector<512x1024xi32>
    %convert_element_type3A_368 = arith.sitofp %convert_element_type3A_367 : vector<512x1024xi32> to vector<512x1024xf32>
    %dot_general3A_369 = arith.constant dense<0.000000e+00> : vector<1024x16xf32>
    %dot_general3A_370 = tpu.matmul %convert_element_type3A_368, %concatenate3A_253, %dot_general3A_369 {dimension_numbers = #tpu.dot_dimension_numbers<[0], [0], [1], [1], [0, 1, 1, 1], [], []>, transpose_lhs_hint = false} : vector<512x1024xf32>, vector<512x16xf32>, vector<1024x16xf32> -> vector<1024x16xf32>
    %get3A_371 = arith.constant 6144 : index
    %get3A_372 = arith.constant 0 : index
    %get3A_373 = vector.load %arg11[%get3A_371, %get3A_372] : memref<10240x16xf32, #tpu.memory_space<vmem>>, vector<1024x16xf32>
    %add3A_374 = arith.addf %get3A_373, %dot_general3A_370 : vector<1024x16xf32>
    %swap3A_375 = arith.constant 6144 : index
    %swap3A_376 = arith.constant 0 : index
    %swap3A_377 = vector.load %arg11[%swap3A_375, %swap3A_376] : memref<10240x16xf32, #tpu.memory_space<vmem>>, vector<1024x16xf32>
    tpu.vector_store %arg11[%swap3A_375, %swap3A_376], %add3A_374 {strides = array<i32>} : memref<10240x16xf32, #tpu.memory_space<vmem>>, vector<1024x16xf32>,
    %iota3A_378 = tpu.iota {dimensions = array<i32: 1>} : vector<512x1024xi32>
    %add3A_379 = arith.constant 7168 : i32
    %add3A_380 = vector.broadcast %add3A_379 : i32 to vector<512x1024xi32>
    %add3A_381 = arith.addi %iota3A_378, %add3A_380 : vector<512x1024xi32>
    %eq3A_382 = vector.broadcast %get3A_258 : vector<512x1xi32> to vector<512x1024xi32>
    %eq3A_383 = arith.cmpi eq, %eq3A_382, %add3A_381 : vector<512x1024xi32>
    %convert_element_type3A_384 = arith.extui %eq3A_383 : vector<512x1024xi1> to vector<512x1024xi32>
    %convert_element_type3A_385 = arith.sitofp %convert_element_type3A_384 : vector<512x1024xi32> to vector<512x1024xf32>
    %dot_general3A_386 = arith.constant dense<0.000000e+00> : vector<1024x16xf32>
    %dot_general3A_387 = tpu.matmul %convert_element_type3A_385, %concatenate3A_253, %dot_general3A_386 {dimension_numbers = #tpu.dot_dimension_numbers<[0], [0], [1], [1], [0, 1, 1, 1], [], []>, transpose_lhs_hint = false} : vector<512x1024xf32>, vector<512x16xf32>, vector<1024x16xf32> -> vector<1024x16xf32>
    %get3A_388 = arith.constant 7168 : index
    %get3A_389 = arith.constant 0 : index
    %get3A_390 = vector.load %arg11[%get3A_388, %get3A_389] : memref<10240x16xf32, #tpu.memory_space<vmem>>, vector<1024x16xf32>
    %add3A_391 = arith.addf %get3A_390, %dot_general3A_387 : vector<1024x16xf32>
    %swap3A_392 = arith.constant 7168 : index
    %swap3A_393 = arith.constant 0 : index
    %swap3A_394 = vector.load %arg11[%swap3A_392, %swap3A_393] : memref<10240x16xf32, #tpu.memory_space<vmem>>, vector<1024x16xf32>
    tpu.vector_store %arg11[%swap3A_392, %swap3A_393], %add3A_391 {strides = array<i32>} : memref<10240x16xf32, #tpu.memory_space<vmem>>, vector<1024x16xf32>,
    %iota3A_395 = tpu.iota {dimensions = array<i32: 1>} : vector<512x1024xi32>
    %add3A_396 = arith.constant 8192 : i32
    %add3A_397 = vector.broadcast %add3A_396 : i32 to vector<512x1024xi32>
    %add3A_398 = arith.addi %iota3A_395, %add3A_397 : vector<512x1024xi32>
    %eq3A_399 = vector.broadcast %get3A_258 : vector<512x1xi32> to vector<512x1024xi32>
    %eq3A_400 = arith.cmpi eq, %eq3A_399, %add3A_398 : vector<512x1024xi32>
    %convert_element_type3A_401 = arith.extui %eq3A_400 : vector<512x1024xi1> to vector<512x1024xi32>
    %convert_element_type3A_402 = arith.sitofp %convert_element_type3A_401 : vector<512x1024xi32> to vector<512x1024xf32>
    %dot_general3A_403 = arith.constant dense<0.000000e+00> : vector<1024x16xf32>
    %dot_general3A_404 = tpu.matmul %convert_element_type3A_402, %concatenate3A_253, %dot_general3A_403 {dimension_numbers = #tpu.dot_dimension_numbers<[0], [0], [1], [1], [0, 1, 1, 1], [], []>, transpose_lhs_hint = false} : vector<512x1024xf32>, vector<512x16xf32>, vector<1024x16xf32> -> vector<1024x16xf32>
    %get3A_405 = arith.constant 8192 : index
    %get3A_406 = arith.constant 0 : index
    %get3A_407 = vector.load %arg11[%get3A_405, %get3A_406] : memref<10240x16xf32, #tpu.memory_space<vmem>>, vector<1024x16xf32>
    %add3A_408 = arith.addf %get3A_407, %dot_general3A_404 : vector<1024x16xf32>
    %swap3A_409 = arith.constant 8192 : index
    %swap3A_410 = arith.constant 0 : index
    %swap3A_411 = vector.load %arg11[%swap3A_409, %swap3A_410] : memref<10240x16xf32, #tpu.memory_space<vmem>>, vector<1024x16xf32>
    tpu.vector_store %arg11[%swap3A_409, %swap3A_410], %add3A_408 {strides = array<i32>} : memref<10240x16xf32, #tpu.memory_space<vmem>>, vector<1024x16xf32>,
    %iota3A_412 = tpu.iota {dimensions = array<i32: 1>} : vector<512x1024xi32>
    %add3A_413 = arith.constant 9216 : i32
    %add3A_414 = vector.broadcast %add3A_413 : i32 to vector<512x1024xi32>
    %add3A_415 = arith.addi %iota3A_412, %add3A_414 : vector<512x1024xi32>
    %eq3A_416 = vector.broadcast %get3A_258 : vector<512x1xi32> to vector<512x1024xi32>
    %eq3A_417 = arith.cmpi eq, %eq3A_416, %add3A_415 : vector<512x1024xi32>
    %convert_element_type3A_418 = arith.extui %eq3A_417 : vector<512x1024xi1> to vector<512x1024xi32>
    %convert_element_type3A_419 = arith.sitofp %convert_element_type3A_418 : vector<512x1024xi32> to vector<512x1024xf32>
    %dot_general3A_420 = arith.constant dense<0.000000e+00> : vector<1024x16xf32>
    %dot_general3A_421 = tpu.matmul %convert_element_type3A_419, %concatenate3A_253, %dot_general3A_420 {dimension_numbers = #tpu.dot_dimension_numbers<[0], [0], [1], [1], [0, 1, 1, 1], [], []>, transpose_lhs_hint = false} : vector<512x1024xf32>, vector<512x16xf32>, vector<1024x16xf32> -> vector<1024x16xf32>
    %get3A_422 = arith.constant 9216 : index
    %get3A_423 = arith.constant 0 : index
    %get3A_424 = vector.load %arg11[%get3A_422, %get3A_423] : memref<10240x16xf32, #tpu.memory_space<vmem>>, vector<1024x16xf32>
    %add3A_425 = arith.addf %get3A_424, %dot_general3A_421 : vector<1024x16xf32>
    %swap3A_426 = arith.constant 9216 : index
    %swap3A_427 = arith.constant 0 : index
    %swap3A_428 = vector.load %arg11[%swap3A_426, %swap3A_427] : memref<10240x16xf32, #tpu.memory_space<vmem>>, vector<1024x16xf32>
    tpu.vector_store %arg11[%swap3A_426, %swap3A_427], %add3A_425 {strides = array<i32>} : memref<10240x16xf32, #tpu.memory_space<vmem>>, vector<1024x16xf32>,
    return
  }
  func.func @transform_0(%arg0: i32) -> (i32, i32) {
    %c0_i32 = arith.constant 0 : i32
    %c0_i32_0 = arith.constant 0 : i32
    return %arg0, %c0_i32 : i32, i32
  }
  func.func @transform_1(%arg0: i32) -> (i32, i32) {
    %c0_i32 = arith.constant 0 : i32
    %c0_i32_0 = arith.constant 0 : i32
    return %arg0, %c0_i32 : i32, i32
  }
  func.func @transform_2(%arg0: i32) -> (i32, i32) {
    %c0_i32 = arith.constant 0 : i32
    %c0_i32_0 = arith.constant 0 : i32
    return %arg0, %c0_i32 : i32, i32
  }
  func.func @transform_3(%arg0: i32) -> (i32, i32, i32) {
    %c0_i32 = arith.constant 0 : i32
    %c0_i32_0 = arith.constant 0 : i32
    %c0_i32_1 = arith.constant 0 : i32
    %c0_i32_2 = arith.constant 0 : i32
    return %c0_i32, %c0_i32_0, %c0_i32_1 : i32, i32, i32
  }
  func.func @transform_4(%arg0: i32) -> (i32, i32, i32) {
    %c0_i32 = arith.constant 0 : i32
    %c0_i32_0 = arith.constant 0 : i32
    %c0_i32_1 = arith.constant 0 : i32
    %c0_i32_2 = arith.constant 0 : i32
    return %c0_i32, %c0_i32_0, %c0_i32_1 : i32, i32, i32
  }
  func.func @transform_5(%arg0: i32) -> (i32, i32, i32) {
    %c0_i32 = arith.constant 0 : i32
    %c0_i32_0 = arith.constant 0 : i32
    %c0_i32_1 = arith.constant 0 : i32
    %c0_i32_2 = arith.constant 0 : i32
    return %c0_i32, %c0_i32_0, %c0_i32_1 : i32, i32, i32
  }
  func.func @transform_6(%arg0: i32) -> (i32, i32, i32) {
    %c0_i32 = arith.constant 0 : i32
    %c0_i32_0 = arith.constant 0 : i32
    %c0_i32_1 = arith.constant 0 : i32
    %c0_i32_2 = arith.constant 0 : i32
    return %c0_i32, %c0_i32_0, %c0_i32_1 : i32, i32, i32
  }
  func.func @transform_7(%arg0: i32) -> (i32, i32, i32) {
    %c0_i32 = arith.constant 0 : i32
    %c0_i32_0 = arith.constant 0 : i32
    %c0_i32_1 = arith.constant 0 : i32
    %c0_i32_2 = arith.constant 0 : i32
    return %c0_i32, %c0_i32_0, %c0_i32_1 : i32, i32, i32
  }
  func.func @transform_8(%arg0: i32) -> (i32, i32, i32) {
    %c0_i32 = arith.constant 0 : i32
    %c0_i32_0 = arith.constant 0 : i32
    %c0_i32_1 = arith.constant 0 : i32
    %c0_i32_2 = arith.constant 0 : i32
    return %c0_i32, %c0_i32_0, %c0_i32_1 : i32, i32, i32
  }
  func.func @transform_9(%arg0: i32) -> (i32, i32) {
    %c0_i32 = arith.constant 0 : i32
    %c0_i32_0 = arith.constant 0 : i32
    return %arg0, %c0_i32 : i32, i32
  }
  func.func @transform_10(%arg0: i32) -> (i32, i32) {
    %c0_i32 = arith.constant 0 : i32
    %c0_i32_0 = arith.constant 0 : i32
    %c0_i32_1 = arith.constant 0 : i32
    return %c0_i32, %c0_i32_0 : i32, i32
  }
}

module attributes {stable_mosaic.version = 14 : i64} {
  func.func @tc_proj(%arg0: i32, %arg1: memref<512x384xf32, #tpu.memory_space<vmem>>, %arg2: memref<512x384xf32, #tpu.memory_space<vmem>>, %arg3: memref<512x1xi32, #tpu.memory_space<vmem>>, %arg4: memref<512x16xf32, #tpu.memory_space<vmem>>, %arg5: memref<512x128xf32, #tpu.memory_space<vmem>>, %arg6: memref<4x256x256xf32, #tpu.memory_space<vmem>>, %arg7: memref<4x256x256xf32, #tpu.memory_space<vmem>>, %arg8: memref<4x32x256xf32, #tpu.memory_space<vmem>>, %arg9: memref<4x1x256xf32, #tpu.memory_space<vmem>>, %arg10: memref<4x256x256xf32, #tpu.memory_space<vmem>>, %arg11: memref<4x1x256xf32, #tpu.memory_space<vmem>>, %arg12: memref<10240x256xf32, #tpu.memory_space<vmem>>) attributes {dimension_semantics = [#tpu.dimension_semantics<arbitrary>], iteration_bounds = array<i64: 320>, scalar_prefetch = 0 : i64, scratch_operands = 0 : i64, tpu.core_type = #tpu.core_type<tc>, window_params = [{transform_indices = @transform_0, window_bounds = array<i64: 512, 384>}, {transform_indices = @transform_1, window_bounds = array<i64: 512, 384>}, {transform_indices = @transform_2, window_bounds = array<i64: 512, 1>}, {transform_indices = @transform_3, window_bounds = array<i64: 512, 16>}, {transform_indices = @transform_4, window_bounds = array<i64: 512, 128>}, {pipeline_mode = #tpu.pipeline_mode<synchronous>, transform_indices = @transform_5, window_bounds = array<i64: 4, 256, 256>}, {pipeline_mode = #tpu.pipeline_mode<synchronous>, transform_indices = @transform_6, window_bounds = array<i64: 4, 256, 256>}, {pipeline_mode = #tpu.pipeline_mode<synchronous>, transform_indices = @transform_7, window_bounds = array<i64: 4, 32, 256>}, {pipeline_mode = #tpu.pipeline_mode<synchronous>, transform_indices = @transform_8, window_bounds = array<i64: 4, 1, 256>}, {pipeline_mode = #tpu.pipeline_mode<synchronous>, transform_indices = @transform_9, window_bounds = array<i64: 4, 256, 256>}, {pipeline_mode = #tpu.pipeline_mode<synchronous>, transform_indices = @transform_10, window_bounds = array<i64: 4, 1, 256>}, {pipeline_mode = #tpu.pipeline_mode<synchronous>, transform_indices = @transform_11, window_bounds = array<i64: 10240, 256>}]} {
    %eq3A = arith.constant 0 : i32
    %eq3A_0 = arith.cmpi eq, %arg0, %eq3A : i32
    %convert_element_type3A = arith.extui %eq3A_0 : i1 to i32
    %cond3A = arith.constant 0 : i32
    %cond3A_1 = arith.cmpi ne, %convert_element_type3A, %cond3A : i32
    scf.if %cond3A_1 {
      %broadcast_in_dim3A_485 = arith.constant 0.000000e+00 : f32
      %broadcast_in_dim3A_486 = vector.broadcast %broadcast_in_dim3A_485 : f32 to vector<10240x256xf32>
      %swap3A_487 = arith.constant 0 : index
      %swap3A_488 = arith.constant 0 : index
      %swap3A_489 = vector.load %arg12[%swap3A_487, %swap3A_488] : memref<10240x256xf32, #tpu.memory_space<vmem>>, vector<10240x256xf32>
      tpu.vector_store %arg12[%swap3A_487, %swap3A_488], %broadcast_in_dim3A_486 {strides = array<i32>} : memref<10240x256xf32, #tpu.memory_space<vmem>>, vector<10240x256xf32>,
    } else {
    }
    %get3A = arith.constant 0 : index
    %get3A_2 = arith.constant 0 : index
    %get3A_3 = vector.load %arg1[%get3A, %get3A_2] : memref<512x384xf32, #tpu.memory_space<vmem>>, vector<512x256xf32>
    %get3A_4 = arith.constant 0 : index
    %get3A_5 = arith.constant 0 : index
    %get3A_6 = vector.load %arg2[%get3A_4, %get3A_5] : memref<512x384xf32, #tpu.memory_space<vmem>>, vector<512x256xf32>
    %get3A_7 = arith.constant 0 : index
    %get3A_8 = arith.constant 256 : index
    %get3A_9 = vector.load %arg1[%get3A_7, %get3A_8] : memref<512x384xf32, #tpu.memory_space<vmem>>, vector<512x16xf32>
    %get3A_10 = arith.constant 0 : index
    %get3A_11 = arith.constant 256 : index
    %get3A_12 = vector.load %arg2[%get3A_10, %get3A_11] : memref<512x384xf32, #tpu.memory_space<vmem>>, vector<512x16xf32>
    %sub3A = arith.subf %get3A_12, %get3A_9 : vector<512x16xf32>
    %mul3A = arith.mulf %sub3A, %sub3A : vector<512x16xf32>
    %reduce_sum3A = arith.constant dense<0.000000e+00> : vector<512xf32>
    %reduce_sum3A_13 = vector.multi_reduction <add>, %mul3A, %reduce_sum3A [1] : vector<512x16xf32> to vector<512xf32>
    %broadcast_in_dim3A = vector.shape_cast %reduce_sum3A_13 : vector<512xf32> to vector<512x1xf32>
    %sqrt3A = math.sqrt %broadcast_in_dim3A : vector<512x1xf32>
    %add3A = arith.constant 9.99999993E-9 : f32
    %add3A_14 = vector.broadcast %add3A : f32 to vector<512x1xf32>
    %add3A_15 = arith.addf %sqrt3A, %add3A_14 : vector<512x1xf32>
    %div3A = arith.constant 1.000000e+00 : f32
    %div3A_16 = vector.broadcast %div3A : f32 to vector<512x1xf32>
    %div3A_17 = arith.divf %div3A_16, %add3A_15 : vector<512x1xf32>
    %mul3A_18 = vector.broadcast %div3A_17 : vector<512x1xf32> to vector<512x16xf32>
    %mul3A_19 = arith.mulf %sub3A, %mul3A_18 : vector<512x16xf32>
    %iota3A = tpu.iota {dimensions = array<i32: 1>} : vector<512x16xi32>
    %convert_element_type3A_20 = arith.sitofp %iota3A : vector<512x16xi32> to vector<512x16xf32>
    %mul3A_21 = arith.constant 0.533333361 : f32
    %mul3A_22 = vector.broadcast %mul3A_21 : f32 to vector<512x16xf32>
    %mul3A_23 = arith.mulf %convert_element_type3A_20, %mul3A_22 : vector<512x16xf32>
    %sub3A_24 = vector.broadcast %sqrt3A : vector<512x1xf32> to vector<512x16xf32>
    %sub3A_25 = arith.subf %sub3A_24, %mul3A_23 : vector<512x16xf32>
    %integer_pow3A = arith.mulf %sub3A_25, %sub3A_25 : vector<512x16xf32>
    %mul3A_26 = arith.constant -2.000000e+00 : f32
    %mul3A_27 = vector.broadcast %mul3A_26 : f32 to vector<512x16xf32>
    %mul3A_28 = arith.mulf %mul3A_27, %integer_pow3A : vector<512x16xf32>
    %exp3A = math.exp %mul3A_28 : vector<512x16xf32>
    %slice3A = vector.extract_strided_slice %mul3A_19 {offsets = [0, 0], sizes = [512, 3], strides = [1, 1]} : vector<512x16xf32> to vector<512x3xf32>
    %slice3A_29 = vector.extract_strided_slice %mul3A_19 {offsets = [0, 0], sizes = [512, 1], strides = [1, 1]} : vector<512x16xf32> to vector<512x1xf32>
    %slice3A_30 = vector.extract_strided_slice %mul3A_19 {offsets = [0, 1], sizes = [512, 1], strides = [1, 1]} : vector<512x16xf32> to vector<512x1xf32>
    %broadcast_in_dim3A_31 = arith.constant 0.000000e+00 : f32
    %broadcast_in_dim3A_32 = vector.broadcast %broadcast_in_dim3A_31 : f32 to vector<512x10xf32>
    %concatenate3A = tpu.concatenate %sqrt3A, %slice3A, %exp3A, %slice3A_29, %slice3A_30, %broadcast_in_dim3A_32 in 1 : vector<512x1xf32>, vector<512x3xf32>, vector<512x16xf32>, vector<512x1xf32>, vector<512x1xf32>, vector<512x10xf32> -> vector<512x32xf32>
    %mul3A_33 = arith.constant -3.125000e-02 : f32
    %mul3A_34 = vector.broadcast %mul3A_33 : f32 to vector<512x1xf32>
    %mul3A_35 = arith.mulf %broadcast_in_dim3A, %mul3A_34 : vector<512x1xf32>
    %exp3A_36 = math.exp %mul3A_35 : vector<512x1xf32>
    %get3A_37 = arith.constant 0 : index
    %get3A_38 = arith.constant 0 : index
    %get3A_39 = vector.load %arg4[%get3A_37, %get3A_38] : memref<512x16xf32, #tpu.memory_space<vmem>>, vector<512x16xf32>
    %mul3A_40 = vector.broadcast %exp3A_36 : vector<512x1xf32> to vector<512x16xf32>
    %mul3A_41 = arith.mulf %get3A_39, %mul3A_40 : vector<512x16xf32>
    %get3A_42 = arith.constant 0 : index
    %get3A_43 = arith.constant 0 : index
    %get3A_44 = vector.load %arg5[%get3A_42, %get3A_43] : memref<512x128xf32, #tpu.memory_space<vmem>>, vector<512x16xf32>
    %add3A_45 = arith.constant 9.99999971E-10 : f32
    %add3A_46 = vector.broadcast %add3A_45 : f32 to vector<512x16xf32>
    %add3A_47 = arith.addf %get3A_44, %add3A_46 : vector<512x16xf32>
    %div3A_48 = arith.divf %mul3A_41, %add3A_47 : vector<512x16xf32>
    %broadcast_in_dim3A_49 = arith.constant 0.000000e+00 : f32
    %broadcast_in_dim3A_50 = vector.broadcast %broadcast_in_dim3A_49 : f32 to vector<512x256xf32>
    %get3A_51 = arith.constant 0 : index
    %get3A_52 = arith.constant 0 : index
    %get3A_53 = arith.constant 0 : index
    %get3A_54 = vector.load %arg6[%get3A_51, %get3A_52, %get3A_53] : memref<4x256x256xf32, #tpu.memory_space<vmem>>, vector<1x256x256xf32>
    %get3A_55 = vector.shape_cast %get3A_54 : vector<1x256x256xf32> to vector<256x256xf32>
    %dot_general3A = arith.constant dense<0.000000e+00> : vector<512x256xf32>
    %dot_general3A_56 = tpu.matmul %get3A_3, %get3A_55, %dot_general3A {dimension_numbers = #tpu.dot_dimension_numbers<[1], [0], [0], [1], [0, 0, 1, 1], [], []>, transpose_lhs_hint = false} : vector<512x256xf32>, vector<256x256xf32>, vector<512x256xf32> -> vector<512x256xf32>
    %get3A_57 = arith.constant 0 : index
    %get3A_58 = arith.constant 0 : index
    %get3A_59 = arith.constant 0 : index
    %get3A_60 = vector.load %arg7[%get3A_57, %get3A_58, %get3A_59] : memref<4x256x256xf32, #tpu.memory_space<vmem>>, vector<1x256x256xf32>
    %get3A_61 = vector.shape_cast %get3A_60 : vector<1x256x256xf32> to vector<256x256xf32>
    %dot_general3A_62 = arith.constant dense<0.000000e+00> : vector<512x256xf32>
    %dot_general3A_63 = tpu.matmul %get3A_6, %get3A_61, %dot_general3A_62 {dimension_numbers = #tpu.dot_dimension_numbers<[1], [0], [0], [1], [0, 0, 1, 1], [], []>, transpose_lhs_hint = false} : vector<512x256xf32>, vector<256x256xf32>, vector<512x256xf32> -> vector<512x256xf32>
    %add3A_64 = arith.addf %dot_general3A_56, %dot_general3A_63 : vector<512x256xf32>
    %get3A_65 = arith.constant 0 : index
    %get3A_66 = arith.constant 0 : index
    %get3A_67 = arith.constant 0 : index
    %get3A_68 = vector.load %arg8[%get3A_65, %get3A_66, %get3A_67] : memref<4x32x256xf32, #tpu.memory_space<vmem>>, vector<1x32x256xf32>
    %get3A_69 = vector.shape_cast %get3A_68 : vector<1x32x256xf32> to vector<32x256xf32>
    %dot_general3A_70 = arith.constant dense<0.000000e+00> : vector<512x256xf32>
    %dot_general3A_71 = tpu.matmul %concatenate3A, %get3A_69, %dot_general3A_70 {dimension_numbers = #tpu.dot_dimension_numbers<[1], [0], [0], [1], [0, 0, 1, 1], [], []>, transpose_lhs_hint = false} : vector<512x32xf32>, vector<32x256xf32>, vector<512x256xf32> -> vector<512x256xf32>
    %add3A_72 = arith.addf %add3A_64, %dot_general3A_71 : vector<512x256xf32>
    %get3A_73 = arith.constant 0 : index
    %get3A_74 = arith.constant 0 : index
    %get3A_75 = arith.constant 0 : index
    %get3A_76 = vector.load %arg9[%get3A_73, %get3A_74, %get3A_75] : memref<4x1x256xf32, #tpu.memory_space<vmem>>, vector<1x1x256xf32>
    %get3A_77 = vector.shape_cast %get3A_76 : vector<1x1x256xf32> to vector<1x256xf32>
    %add3A_78 = vector.broadcast %get3A_77 : vector<1x256xf32> to vector<512x256xf32>
    %add3A_79 = arith.addf %add3A_72, %add3A_78 : vector<512x256xf32>
    %logistic3A = arith.negf %add3A_79 : vector<512x256xf32>
    %logistic3A_80 = math.exp %logistic3A : vector<512x256xf32>
    %logistic3A_81 = arith.constant 1.000000e+00 : f32
    %logistic3A_82 = vector.broadcast %logistic3A_81 : f32 to vector<512x256xf32>
    %logistic3A_83 = arith.addf %logistic3A_82, %logistic3A_80 : vector<512x256xf32>
    %logistic3A_84 = arith.divf %logistic3A_82, %logistic3A_83 : vector<512x256xf32>
    %mul3A_85 = arith.mulf %add3A_79, %logistic3A_84 : vector<512x256xf32>
    %get3A_86 = arith.constant 0 : index
    %get3A_87 = arith.constant 0 : index
    %get3A_88 = arith.constant 0 : index
    %get3A_89 = vector.load %arg10[%get3A_86, %get3A_87, %get3A_88] : memref<4x256x256xf32, #tpu.memory_space<vmem>>, vector<1x256x256xf32>
    %get3A_90 = vector.shape_cast %get3A_89 : vector<1x256x256xf32> to vector<256x256xf32>
    %dot_general3A_91 = arith.constant dense<0.000000e+00> : vector<512x256xf32>
    %dot_general3A_92 = tpu.matmul %mul3A_85, %get3A_90, %dot_general3A_91 {dimension_numbers = #tpu.dot_dimension_numbers<[1], [0], [0], [1], [0, 0, 1, 1], [], []>, transpose_lhs_hint = false} : vector<512x256xf32>, vector<256x256xf32>, vector<512x256xf32> -> vector<512x256xf32>
    %get3A_93 = arith.constant 0 : index
    %get3A_94 = arith.constant 0 : index
    %get3A_95 = arith.constant 0 : index
    %get3A_96 = vector.load %arg11[%get3A_93, %get3A_94, %get3A_95] : memref<4x1x256xf32, #tpu.memory_space<vmem>>, vector<1x1x256xf32>
    %get3A_97 = vector.shape_cast %get3A_96 : vector<1x1x256xf32> to vector<1x256xf32>
    %add3A_98 = vector.broadcast %get3A_97 : vector<1x256xf32> to vector<512x256xf32>
    %add3A_99 = arith.addf %dot_general3A_92, %add3A_98 : vector<512x256xf32>
    %slice3A_100 = vector.extract_strided_slice %div3A_48 {offsets = [0, 0], sizes = [512, 1], strides = [1, 1]} : vector<512x16xf32> to vector<512x1xf32>
    %mul3A_101 = vector.broadcast %slice3A_100 : vector<512x1xf32> to vector<512x256xf32>
    %mul3A_102 = arith.mulf %add3A_99, %mul3A_101 : vector<512x256xf32>
    %add3A_103 = arith.addf %broadcast_in_dim3A_50, %mul3A_102 : vector<512x256xf32>
    %get3A_104 = arith.constant 1 : index
    %get3A_105 = arith.constant 0 : index
    %get3A_106 = arith.constant 0 : index
    %get3A_107 = vector.load %arg6[%get3A_104, %get3A_105, %get3A_106] : memref<4x256x256xf32, #tpu.memory_space<vmem>>, vector<1x256x256xf32>
    %get3A_108 = vector.shape_cast %get3A_107 : vector<1x256x256xf32> to vector<256x256xf32>
    %dot_general3A_109 = arith.constant dense<0.000000e+00> : vector<512x256xf32>
    %dot_general3A_110 = tpu.matmul %get3A_3, %get3A_108, %dot_general3A_109 {dimension_numbers = #tpu.dot_dimension_numbers<[1], [0], [0], [1], [0, 0, 1, 1], [], []>, transpose_lhs_hint = false} : vector<512x256xf32>, vector<256x256xf32>, vector<512x256xf32> -> vector<512x256xf32>
    %get3A_111 = arith.constant 1 : index
    %get3A_112 = arith.constant 0 : index
    %get3A_113 = arith.constant 0 : index
    %get3A_114 = vector.load %arg7[%get3A_111, %get3A_112, %get3A_113] : memref<4x256x256xf32, #tpu.memory_space<vmem>>, vector<1x256x256xf32>
    %get3A_115 = vector.shape_cast %get3A_114 : vector<1x256x256xf32> to vector<256x256xf32>
    %dot_general3A_116 = arith.constant dense<0.000000e+00> : vector<512x256xf32>
    %dot_general3A_117 = tpu.matmul %get3A_6, %get3A_115, %dot_general3A_116 {dimension_numbers = #tpu.dot_dimension_numbers<[1], [0], [0], [1], [0, 0, 1, 1], [], []>, transpose_lhs_hint = false} : vector<512x256xf32>, vector<256x256xf32>, vector<512x256xf32> -> vector<512x256xf32>
    %add3A_118 = arith.addf %dot_general3A_110, %dot_general3A_117 : vector<512x256xf32>
    %get3A_119 = arith.constant 1 : index
    %get3A_120 = arith.constant 0 : index
    %get3A_121 = arith.constant 0 : index
    %get3A_122 = vector.load %arg8[%get3A_119, %get3A_120, %get3A_121] : memref<4x32x256xf32, #tpu.memory_space<vmem>>, vector<1x32x256xf32>
    %get3A_123 = vector.shape_cast %get3A_122 : vector<1x32x256xf32> to vector<32x256xf32>
    %dot_general3A_124 = arith.constant dense<0.000000e+00> : vector<512x256xf32>
    %dot_general3A_125 = tpu.matmul %concatenate3A, %get3A_123, %dot_general3A_124 {dimension_numbers = #tpu.dot_dimension_numbers<[1], [0], [0], [1], [0, 0, 1, 1], [], []>, transpose_lhs_hint = false} : vector<512x32xf32>, vector<32x256xf32>, vector<512x256xf32> -> vector<512x256xf32>
    %add3A_126 = arith.addf %add3A_118, %dot_general3A_125 : vector<512x256xf32>
    %get3A_127 = arith.constant 1 : index
    %get3A_128 = arith.constant 0 : index
    %get3A_129 = arith.constant 0 : index
    %get3A_130 = vector.load %arg9[%get3A_127, %get3A_128, %get3A_129] : memref<4x1x256xf32, #tpu.memory_space<vmem>>, vector<1x1x256xf32>
    %get3A_131 = vector.shape_cast %get3A_130 : vector<1x1x256xf32> to vector<1x256xf32>
    %add3A_132 = vector.broadcast %get3A_131 : vector<1x256xf32> to vector<512x256xf32>
    %add3A_133 = arith.addf %add3A_126, %add3A_132 : vector<512x256xf32>
    %logistic3A_134 = arith.negf %add3A_133 : vector<512x256xf32>
    %logistic3A_135 = math.exp %logistic3A_134 : vector<512x256xf32>
    %logistic3A_136 = arith.constant 1.000000e+00 : f32
    %logistic3A_137 = vector.broadcast %logistic3A_136 : f32 to vector<512x256xf32>
    %logistic3A_138 = arith.addf %logistic3A_137, %logistic3A_135 : vector<512x256xf32>
    %logistic3A_139 = arith.divf %logistic3A_137, %logistic3A_138 : vector<512x256xf32>
    %mul3A_140 = arith.mulf %add3A_133, %logistic3A_139 : vector<512x256xf32>
    %get3A_141 = arith.constant 1 : index
    %get3A_142 = arith.constant 0 : index
    %get3A_143 = arith.constant 0 : index
    %get3A_144 = vector.load %arg10[%get3A_141, %get3A_142, %get3A_143] : memref<4x256x256xf32, #tpu.memory_space<vmem>>, vector<1x256x256xf32>
    %get3A_145 = vector.shape_cast %get3A_144 : vector<1x256x256xf32> to vector<256x256xf32>
    %dot_general3A_146 = arith.constant dense<0.000000e+00> : vector<512x256xf32>
    %dot_general3A_147 = tpu.matmul %mul3A_140, %get3A_145, %dot_general3A_146 {dimension_numbers = #tpu.dot_dimension_numbers<[1], [0], [0], [1], [0, 0, 1, 1], [], []>, transpose_lhs_hint = false} : vector<512x256xf32>, vector<256x256xf32>, vector<512x256xf32> -> vector<512x256xf32>
    %get3A_148 = arith.constant 1 : index
    %get3A_149 = arith.constant 0 : index
    %get3A_150 = arith.constant 0 : index
    %get3A_151 = vector.load %arg11[%get3A_148, %get3A_149, %get3A_150] : memref<4x1x256xf32, #tpu.memory_space<vmem>>, vector<1x1x256xf32>
    %get3A_152 = vector.shape_cast %get3A_151 : vector<1x1x256xf32> to vector<1x256xf32>
    %add3A_153 = vector.broadcast %get3A_152 : vector<1x256xf32> to vector<512x256xf32>
    %add3A_154 = arith.addf %dot_general3A_147, %add3A_153 : vector<512x256xf32>
    %slice3A_155 = vector.extract_strided_slice %div3A_48 {offsets = [0, 1], sizes = [512, 1], strides = [1, 1]} : vector<512x16xf32> to vector<512x1xf32>
    %mul3A_156 = vector.broadcast %slice3A_155 : vector<512x1xf32> to vector<512x256xf32>
    %mul3A_157 = arith.mulf %add3A_154, %mul3A_156 : vector<512x256xf32>
    %add3A_158 = arith.addf %add3A_103, %mul3A_157 : vector<512x256xf32>
    %get3A_159 = arith.constant 2 : index
    %get3A_160 = arith.constant 0 : index
    %get3A_161 = arith.constant 0 : index
    %get3A_162 = vector.load %arg6[%get3A_159, %get3A_160, %get3A_161] : memref<4x256x256xf32, #tpu.memory_space<vmem>>, vector<1x256x256xf32>
    %get3A_163 = vector.shape_cast %get3A_162 : vector<1x256x256xf32> to vector<256x256xf32>
    %dot_general3A_164 = arith.constant dense<0.000000e+00> : vector<512x256xf32>
    %dot_general3A_165 = tpu.matmul %get3A_3, %get3A_163, %dot_general3A_164 {dimension_numbers = #tpu.dot_dimension_numbers<[1], [0], [0], [1], [0, 0, 1, 1], [], []>, transpose_lhs_hint = false} : vector<512x256xf32>, vector<256x256xf32>, vector<512x256xf32> -> vector<512x256xf32>
    %get3A_166 = arith.constant 2 : index
    %get3A_167 = arith.constant 0 : index
    %get3A_168 = arith.constant 0 : index
    %get3A_169 = vector.load %arg7[%get3A_166, %get3A_167, %get3A_168] : memref<4x256x256xf32, #tpu.memory_space<vmem>>, vector<1x256x256xf32>
    %get3A_170 = vector.shape_cast %get3A_169 : vector<1x256x256xf32> to vector<256x256xf32>
    %dot_general3A_171 = arith.constant dense<0.000000e+00> : vector<512x256xf32>
    %dot_general3A_172 = tpu.matmul %get3A_6, %get3A_170, %dot_general3A_171 {dimension_numbers = #tpu.dot_dimension_numbers<[1], [0], [0], [1], [0, 0, 1, 1], [], []>, transpose_lhs_hint = false} : vector<512x256xf32>, vector<256x256xf32>, vector<512x256xf32> -> vector<512x256xf32>
    %add3A_173 = arith.addf %dot_general3A_165, %dot_general3A_172 : vector<512x256xf32>
    %get3A_174 = arith.constant 2 : index
    %get3A_175 = arith.constant 0 : index
    %get3A_176 = arith.constant 0 : index
    %get3A_177 = vector.load %arg8[%get3A_174, %get3A_175, %get3A_176] : memref<4x32x256xf32, #tpu.memory_space<vmem>>, vector<1x32x256xf32>
    %get3A_178 = vector.shape_cast %get3A_177 : vector<1x32x256xf32> to vector<32x256xf32>
    %dot_general3A_179 = arith.constant dense<0.000000e+00> : vector<512x256xf32>
    %dot_general3A_180 = tpu.matmul %concatenate3A, %get3A_178, %dot_general3A_179 {dimension_numbers = #tpu.dot_dimension_numbers<[1], [0], [0], [1], [0, 0, 1, 1], [], []>, transpose_lhs_hint = false} : vector<512x32xf32>, vector<32x256xf32>, vector<512x256xf32> -> vector<512x256xf32>
    %add3A_181 = arith.addf %add3A_173, %dot_general3A_180 : vector<512x256xf32>
    %get3A_182 = arith.constant 2 : index
    %get3A_183 = arith.constant 0 : index
    %get3A_184 = arith.constant 0 : index
    %get3A_185 = vector.load %arg9[%get3A_182, %get3A_183, %get3A_184] : memref<4x1x256xf32, #tpu.memory_space<vmem>>, vector<1x1x256xf32>
    %get3A_186 = vector.shape_cast %get3A_185 : vector<1x1x256xf32> to vector<1x256xf32>
    %add3A_187 = vector.broadcast %get3A_186 : vector<1x256xf32> to vector<512x256xf32>
    %add3A_188 = arith.addf %add3A_181, %add3A_187 : vector<512x256xf32>
    %logistic3A_189 = arith.negf %add3A_188 : vector<512x256xf32>
    %logistic3A_190 = math.exp %logistic3A_189 : vector<512x256xf32>
    %logistic3A_191 = arith.constant 1.000000e+00 : f32
    %logistic3A_192 = vector.broadcast %logistic3A_191 : f32 to vector<512x256xf32>
    %logistic3A_193 = arith.addf %logistic3A_192, %logistic3A_190 : vector<512x256xf32>
    %logistic3A_194 = arith.divf %logistic3A_192, %logistic3A_193 : vector<512x256xf32>
    %mul3A_195 = arith.mulf %add3A_188, %logistic3A_194 : vector<512x256xf32>
    %get3A_196 = arith.constant 2 : index
    %get3A_197 = arith.constant 0 : index
    %get3A_198 = arith.constant 0 : index
    %get3A_199 = vector.load %arg10[%get3A_196, %get3A_197, %get3A_198] : memref<4x256x256xf32, #tpu.memory_space<vmem>>, vector<1x256x256xf32>
    %get3A_200 = vector.shape_cast %get3A_199 : vector<1x256x256xf32> to vector<256x256xf32>
    %dot_general3A_201 = arith.constant dense<0.000000e+00> : vector<512x256xf32>
    %dot_general3A_202 = tpu.matmul %mul3A_195, %get3A_200, %dot_general3A_201 {dimension_numbers = #tpu.dot_dimension_numbers<[1], [0], [0], [1], [0, 0, 1, 1], [], []>, transpose_lhs_hint = false} : vector<512x256xf32>, vector<256x256xf32>, vector<512x256xf32> -> vector<512x256xf32>
    %get3A_203 = arith.constant 2 : index
    %get3A_204 = arith.constant 0 : index
    %get3A_205 = arith.constant 0 : index
    %get3A_206 = vector.load %arg11[%get3A_203, %get3A_204, %get3A_205] : memref<4x1x256xf32, #tpu.memory_space<vmem>>, vector<1x1x256xf32>
    %get3A_207 = vector.shape_cast %get3A_206 : vector<1x1x256xf32> to vector<1x256xf32>
    %add3A_208 = vector.broadcast %get3A_207 : vector<1x256xf32> to vector<512x256xf32>
    %add3A_209 = arith.addf %dot_general3A_202, %add3A_208 : vector<512x256xf32>
    %slice3A_210 = vector.extract_strided_slice %div3A_48 {offsets = [0, 2], sizes = [512, 1], strides = [1, 1]} : vector<512x16xf32> to vector<512x1xf32>
    %mul3A_211 = vector.broadcast %slice3A_210 : vector<512x1xf32> to vector<512x256xf32>
    %mul3A_212 = arith.mulf %add3A_209, %mul3A_211 : vector<512x256xf32>
    %add3A_213 = arith.addf %add3A_158, %mul3A_212 : vector<512x256xf32>
    %get3A_214 = arith.constant 3 : index
    %get3A_215 = arith.constant 0 : index
    %get3A_216 = arith.constant 0 : index
    %get3A_217 = vector.load %arg6[%get3A_214, %get3A_215, %get3A_216] : memref<4x256x256xf32, #tpu.memory_space<vmem>>, vector<1x256x256xf32>
    %get3A_218 = vector.shape_cast %get3A_217 : vector<1x256x256xf32> to vector<256x256xf32>
    %dot_general3A_219 = arith.constant dense<0.000000e+00> : vector<512x256xf32>
    %dot_general3A_220 = tpu.matmul %get3A_3, %get3A_218, %dot_general3A_219 {dimension_numbers = #tpu.dot_dimension_numbers<[1], [0], [0], [1], [0, 0, 1, 1], [], []>, transpose_lhs_hint = false} : vector<512x256xf32>, vector<256x256xf32>, vector<512x256xf32> -> vector<512x256xf32>
    %get3A_221 = arith.constant 3 : index
    %get3A_222 = arith.constant 0 : index
    %get3A_223 = arith.constant 0 : index
    %get3A_224 = vector.load %arg7[%get3A_221, %get3A_222, %get3A_223] : memref<4x256x256xf32, #tpu.memory_space<vmem>>, vector<1x256x256xf32>
    %get3A_225 = vector.shape_cast %get3A_224 : vector<1x256x256xf32> to vector<256x256xf32>
    %dot_general3A_226 = arith.constant dense<0.000000e+00> : vector<512x256xf32>
    %dot_general3A_227 = tpu.matmul %get3A_6, %get3A_225, %dot_general3A_226 {dimension_numbers = #tpu.dot_dimension_numbers<[1], [0], [0], [1], [0, 0, 1, 1], [], []>, transpose_lhs_hint = false} : vector<512x256xf32>, vector<256x256xf32>, vector<512x256xf32> -> vector<512x256xf32>
    %add3A_228 = arith.addf %dot_general3A_220, %dot_general3A_227 : vector<512x256xf32>
    %get3A_229 = arith.constant 3 : index
    %get3A_230 = arith.constant 0 : index
    %get3A_231 = arith.constant 0 : index
    %get3A_232 = vector.load %arg8[%get3A_229, %get3A_230, %get3A_231] : memref<4x32x256xf32, #tpu.memory_space<vmem>>, vector<1x32x256xf32>
    %get3A_233 = vector.shape_cast %get3A_232 : vector<1x32x256xf32> to vector<32x256xf32>
    %dot_general3A_234 = arith.constant dense<0.000000e+00> : vector<512x256xf32>
    %dot_general3A_235 = tpu.matmul %concatenate3A, %get3A_233, %dot_general3A_234 {dimension_numbers = #tpu.dot_dimension_numbers<[1], [0], [0], [1], [0, 0, 1, 1], [], []>, transpose_lhs_hint = false} : vector<512x32xf32>, vector<32x256xf32>, vector<512x256xf32> -> vector<512x256xf32>
    %add3A_236 = arith.addf %add3A_228, %dot_general3A_235 : vector<512x256xf32>
    %get3A_237 = arith.constant 3 : index
    %get3A_238 = arith.constant 0 : index
    %get3A_239 = arith.constant 0 : index
    %get3A_240 = vector.load %arg9[%get3A_237, %get3A_238, %get3A_239] : memref<4x1x256xf32, #tpu.memory_space<vmem>>, vector<1x1x256xf32>
    %get3A_241 = vector.shape_cast %get3A_240 : vector<1x1x256xf32> to vector<1x256xf32>
    %add3A_242 = vector.broadcast %get3A_241 : vector<1x256xf32> to vector<512x256xf32>
    %add3A_243 = arith.addf %add3A_236, %add3A_242 : vector<512x256xf32>
    %logistic3A_244 = arith.negf %add3A_243 : vector<512x256xf32>
    %logistic3A_245 = math.exp %logistic3A_244 : vector<512x256xf32>
    %logistic3A_246 = arith.constant 1.000000e+00 : f32
    %logistic3A_247 = vector.broadcast %logistic3A_246 : f32 to vector<512x256xf32>
    %logistic3A_248 = arith.addf %logistic3A_247, %logistic3A_245 : vector<512x256xf32>
    %logistic3A_249 = arith.divf %logistic3A_247, %logistic3A_248 : vector<512x256xf32>
    %mul3A_250 = arith.mulf %add3A_243, %logistic3A_249 : vector<512x256xf32>
    %get3A_251 = arith.constant 3 : index
    %get3A_252 = arith.constant 0 : index
    %get3A_253 = arith.constant 0 : index
    %get3A_254 = vector.load %arg10[%get3A_251, %get3A_252, %get3A_253] : memref<4x256x256xf32, #tpu.memory_space<vmem>>, vector<1x256x256xf32>
    %get3A_255 = vector.shape_cast %get3A_254 : vector<1x256x256xf32> to vector<256x256xf32>
    %dot_general3A_256 = arith.constant dense<0.000000e+00> : vector<512x256xf32>
    %dot_general3A_257 = tpu.matmul %mul3A_250, %get3A_255, %dot_general3A_256 {dimension_numbers = #tpu.dot_dimension_numbers<[1], [0], [0], [1], [0, 0, 1, 1], [], []>, transpose_lhs_hint = false} : vector<512x256xf32>, vector<256x256xf32>, vector<512x256xf32> -> vector<512x256xf32>
    %get3A_258 = arith.constant 3 : index
    %get3A_259 = arith.constant 0 : index
    %get3A_260 = arith.constant 0 : index
    %get3A_261 = vector.load %arg11[%get3A_258, %get3A_259, %get3A_260] : memref<4x1x256xf32, #tpu.memory_space<vmem>>, vector<1x1x256xf32>
    %get3A_262 = vector.shape_cast %get3A_261 : vector<1x1x256xf32> to vector<1x256xf32>
    %add3A_263 = vector.broadcast %get3A_262 : vector<1x256xf32> to vector<512x256xf32>
    %add3A_264 = arith.addf %dot_general3A_257, %add3A_263 : vector<512x256xf32>
    %slice3A_265 = vector.extract_strided_slice %div3A_48 {offsets = [0, 3], sizes = [512, 1], strides = [1, 1]} : vector<512x16xf32> to vector<512x1xf32>
    %mul3A_266 = vector.broadcast %slice3A_265 : vector<512x1xf32> to vector<512x256xf32>
    %mul3A_267 = arith.mulf %add3A_264, %mul3A_266 : vector<512x256xf32>
    %add3A_268 = arith.addf %add3A_213, %mul3A_267 : vector<512x256xf32>
    %get3A_269 = arith.constant 0 : index
    %get3A_270 = arith.constant 0 : index
    %get3A_271 = vector.load %arg3[%get3A_269, %get3A_270] : memref<512x1xi32, #tpu.memory_space<vmem>>, vector<512x1xi32>
    %convert_element_type3A_272 = arith.truncf %add3A_268 : vector<512x256xf32> to vector<512x256xbf16>
    %convert_element_type3A_273 = arith.extf %convert_element_type3A_272 : vector<512x256xbf16> to vector<512x256xf32>
    %sub3A_274 = arith.subf %add3A_268, %convert_element_type3A_273 : vector<512x256xf32>
    %convert_element_type3A_275 = arith.truncf %sub3A_274 : vector<512x256xf32> to vector<512x256xbf16>
    %iota3A_276 = tpu.iota {dimensions = array<i32: 1>} : vector<512x1024xi32>
    %add3A_277 = arith.constant 0 : i32
    %add3A_278 = vector.broadcast %add3A_277 : i32 to vector<512x1024xi32>
    %add3A_279 = arith.addi %iota3A_276, %add3A_278 : vector<512x1024xi32>
    %eq3A_280 = vector.broadcast %get3A_271 : vector<512x1xi32> to vector<512x1024xi32>
    %eq3A_281 = arith.cmpi eq, %eq3A_280, %add3A_279 : vector<512x1024xi32>
    %convert_element_type3A_282 = arith.extui %eq3A_281 : vector<512x1024xi1> to vector<512x1024xi32>
    %convert_element_type3A_283 = arith.sitofp %convert_element_type3A_282 : vector<512x1024xi32> to vector<512x1024xf32>
    %convert_element_type3A_284 = arith.truncf %convert_element_type3A_283 : vector<512x1024xf32> to vector<512x1024xbf16>
    %dot_general3A_285 = arith.constant dense<0.000000e+00> : vector<1024x256xf32>
    %dot_general3A_286 = tpu.matmul %convert_element_type3A_284, %convert_element_type3A_272, %dot_general3A_285 {dimension_numbers = #tpu.dot_dimension_numbers<[0], [0], [1], [1], [0, 1, 1, 1], [], []>, transpose_lhs_hint = false} : vector<512x1024xbf16>, vector<512x256xbf16>, vector<1024x256xf32> -> vector<1024x256xf32>
    %dot_general3A_287 = arith.constant dense<0.000000e+00> : vector<1024x256xf32>
    %dot_general3A_288 = tpu.matmul %convert_element_type3A_284, %convert_element_type3A_275, %dot_general3A_287 {dimension_numbers = #tpu.dot_dimension_numbers<[0], [0], [1], [1], [0, 1, 1, 1], [], []>, transpose_lhs_hint = false} : vector<512x1024xbf16>, vector<512x256xbf16>, vector<1024x256xf32> -> vector<1024x256xf32>
    %add3A_289 = arith.addf %dot_general3A_286, %dot_general3A_288 : vector<1024x256xf32>
    %get3A_290 = arith.constant 0 : index
    %get3A_291 = arith.constant 0 : index
    %get3A_292 = vector.load %arg12[%get3A_290, %get3A_291] : memref<10240x256xf32, #tpu.memory_space<vmem>>, vector<1024x256xf32>
    %add3A_293 = arith.addf %get3A_292, %add3A_289 : vector<1024x256xf32>
    %swap3A = arith.constant 0 : index
    %swap3A_294 = arith.constant 0 : index
    %swap3A_295 = vector.load %arg12[%swap3A, %swap3A_294] : memref<10240x256xf32, #tpu.memory_space<vmem>>, vector<1024x256xf32>
    tpu.vector_store %arg12[%swap3A, %swap3A_294], %add3A_293 {strides = array<i32>} : memref<10240x256xf32, #tpu.memory_space<vmem>>, vector<1024x256xf32>,
    %iota3A_296 = tpu.iota {dimensions = array<i32: 1>} : vector<512x1024xi32>
    %add3A_297 = arith.constant 1024 : i32
    %add3A_298 = vector.broadcast %add3A_297 : i32 to vector<512x1024xi32>
    %add3A_299 = arith.addi %iota3A_296, %add3A_298 : vector<512x1024xi32>
    %eq3A_300 = vector.broadcast %get3A_271 : vector<512x1xi32> to vector<512x1024xi32>
    %eq3A_301 = arith.cmpi eq, %eq3A_300, %add3A_299 : vector<512x1024xi32>
    %convert_element_type3A_302 = arith.extui %eq3A_301 : vector<512x1024xi1> to vector<512x1024xi32>
    %convert_element_type3A_303 = arith.sitofp %convert_element_type3A_302 : vector<512x1024xi32> to vector<512x1024xf32>
    %convert_element_type3A_304 = arith.truncf %convert_element_type3A_303 : vector<512x1024xf32> to vector<512x1024xbf16>
    %dot_general3A_305 = arith.constant dense<0.000000e+00> : vector<1024x256xf32>
    %dot_general3A_306 = tpu.matmul %convert_element_type3A_304, %convert_element_type3A_272, %dot_general3A_305 {dimension_numbers = #tpu.dot_dimension_numbers<[0], [0], [1], [1], [0, 1, 1, 1], [], []>, transpose_lhs_hint = false} : vector<512x1024xbf16>, vector<512x256xbf16>, vector<1024x256xf32> -> vector<1024x256xf32>
    %dot_general3A_307 = arith.constant dense<0.000000e+00> : vector<1024x256xf32>
    %dot_general3A_308 = tpu.matmul %convert_element_type3A_304, %convert_element_type3A_275, %dot_general3A_307 {dimension_numbers = #tpu.dot_dimension_numbers<[0], [0], [1], [1], [0, 1, 1, 1], [], []>, transpose_lhs_hint = false} : vector<512x1024xbf16>, vector<512x256xbf16>, vector<1024x256xf32> -> vector<1024x256xf32>
    %add3A_309 = arith.addf %dot_general3A_306, %dot_general3A_308 : vector<1024x256xf32>
    %get3A_310 = arith.constant 1024 : index
    %get3A_311 = arith.constant 0 : index
    %get3A_312 = vector.load %arg12[%get3A_310, %get3A_311] : memref<10240x256xf32, #tpu.memory_space<vmem>>, vector<1024x256xf32>
    %add3A_313 = arith.addf %get3A_312, %add3A_309 : vector<1024x256xf32>
    %swap3A_314 = arith.constant 1024 : index
    %swap3A_315 = arith.constant 0 : index
    %swap3A_316 = vector.load %arg12[%swap3A_314, %swap3A_315] : memref<10240x256xf32, #tpu.memory_space<vmem>>, vector<1024x256xf32>
    tpu.vector_store %arg12[%swap3A_314, %swap3A_315], %add3A_313 {strides = array<i32>} : memref<10240x256xf32, #tpu.memory_space<vmem>>, vector<1024x256xf32>,
    %iota3A_317 = tpu.iota {dimensions = array<i32: 1>} : vector<512x1024xi32>
    %add3A_318 = arith.constant 2048 : i32
    %add3A_319 = vector.broadcast %add3A_318 : i32 to vector<512x1024xi32>
    %add3A_320 = arith.addi %iota3A_317, %add3A_319 : vector<512x1024xi32>
    %eq3A_321 = vector.broadcast %get3A_271 : vector<512x1xi32> to vector<512x1024xi32>
    %eq3A_322 = arith.cmpi eq, %eq3A_321, %add3A_320 : vector<512x1024xi32>
    %convert_element_type3A_323 = arith.extui %eq3A_322 : vector<512x1024xi1> to vector<512x1024xi32>
    %convert_element_type3A_324 = arith.sitofp %convert_element_type3A_323 : vector<512x1024xi32> to vector<512x1024xf32>
    %convert_element_type3A_325 = arith.truncf %convert_element_type3A_324 : vector<512x1024xf32> to vector<512x1024xbf16>
    %dot_general3A_326 = arith.constant dense<0.000000e+00> : vector<1024x256xf32>
    %dot_general3A_327 = tpu.matmul %convert_element_type3A_325, %convert_element_type3A_272, %dot_general3A_326 {dimension_numbers = #tpu.dot_dimension_numbers<[0], [0], [1], [1], [0, 1, 1, 1], [], []>, transpose_lhs_hint = false} : vector<512x1024xbf16>, vector<512x256xbf16>, vector<1024x256xf32> -> vector<1024x256xf32>
    %dot_general3A_328 = arith.constant dense<0.000000e+00> : vector<1024x256xf32>
    %dot_general3A_329 = tpu.matmul %convert_element_type3A_325, %convert_element_type3A_275, %dot_general3A_328 {dimension_numbers = #tpu.dot_dimension_numbers<[0], [0], [1], [1], [0, 1, 1, 1], [], []>, transpose_lhs_hint = false} : vector<512x1024xbf16>, vector<512x256xbf16>, vector<1024x256xf32> -> vector<1024x256xf32>
    %add3A_330 = arith.addf %dot_general3A_327, %dot_general3A_329 : vector<1024x256xf32>
    %get3A_331 = arith.constant 2048 : index
    %get3A_332 = arith.constant 0 : index
    %get3A_333 = vector.load %arg12[%get3A_331, %get3A_332] : memref<10240x256xf32, #tpu.memory_space<vmem>>, vector<1024x256xf32>
    %add3A_334 = arith.addf %get3A_333, %add3A_330 : vector<1024x256xf32>
    %swap3A_335 = arith.constant 2048 : index
    %swap3A_336 = arith.constant 0 : index
    %swap3A_337 = vector.load %arg12[%swap3A_335, %swap3A_336] : memref<10240x256xf32, #tpu.memory_space<vmem>>, vector<1024x256xf32>
    tpu.vector_store %arg12[%swap3A_335, %swap3A_336], %add3A_334 {strides = array<i32>} : memref<10240x256xf32, #tpu.memory_space<vmem>>, vector<1024x256xf32>,
    %iota3A_338 = tpu.iota {dimensions = array<i32: 1>} : vector<512x1024xi32>
    %add3A_339 = arith.constant 3072 : i32
    %add3A_340 = vector.broadcast %add3A_339 : i32 to vector<512x1024xi32>
    %add3A_341 = arith.addi %iota3A_338, %add3A_340 : vector<512x1024xi32>
    %eq3A_342 = vector.broadcast %get3A_271 : vector<512x1xi32> to vector<512x1024xi32>
    %eq3A_343 = arith.cmpi eq, %eq3A_342, %add3A_341 : vector<512x1024xi32>
    %convert_element_type3A_344 = arith.extui %eq3A_343 : vector<512x1024xi1> to vector<512x1024xi32>
    %convert_element_type3A_345 = arith.sitofp %convert_element_type3A_344 : vector<512x1024xi32> to vector<512x1024xf32>
    %convert_element_type3A_346 = arith.truncf %convert_element_type3A_345 : vector<512x1024xf32> to vector<512x1024xbf16>
    %dot_general3A_347 = arith.constant dense<0.000000e+00> : vector<1024x256xf32>
    %dot_general3A_348 = tpu.matmul %convert_element_type3A_346, %convert_element_type3A_272, %dot_general3A_347 {dimension_numbers = #tpu.dot_dimension_numbers<[0], [0], [1], [1], [0, 1, 1, 1], [], []>, transpose_lhs_hint = false} : vector<512x1024xbf16>, vector<512x256xbf16>, vector<1024x256xf32> -> vector<1024x256xf32>
    %dot_general3A_349 = arith.constant dense<0.000000e+00> : vector<1024x256xf32>
    %dot_general3A_350 = tpu.matmul %convert_element_type3A_346, %convert_element_type3A_275, %dot_general3A_349 {dimension_numbers = #tpu.dot_dimension_numbers<[0], [0], [1], [1], [0, 1, 1, 1], [], []>, transpose_lhs_hint = false} : vector<512x1024xbf16>, vector<512x256xbf16>, vector<1024x256xf32> -> vector<1024x256xf32>
    %add3A_351 = arith.addf %dot_general3A_348, %dot_general3A_350 : vector<1024x256xf32>
    %get3A_352 = arith.constant 3072 : index
    %get3A_353 = arith.constant 0 : index
    %get3A_354 = vector.load %arg12[%get3A_352, %get3A_353] : memref<10240x256xf32, #tpu.memory_space<vmem>>, vector<1024x256xf32>
    %add3A_355 = arith.addf %get3A_354, %add3A_351 : vector<1024x256xf32>
    %swap3A_356 = arith.constant 3072 : index
    %swap3A_357 = arith.constant 0 : index
    %swap3A_358 = vector.load %arg12[%swap3A_356, %swap3A_357] : memref<10240x256xf32, #tpu.memory_space<vmem>>, vector<1024x256xf32>
    tpu.vector_store %arg12[%swap3A_356, %swap3A_357], %add3A_355 {strides = array<i32>} : memref<10240x256xf32, #tpu.memory_space<vmem>>, vector<1024x256xf32>,
    %iota3A_359 = tpu.iota {dimensions = array<i32: 1>} : vector<512x1024xi32>
    %add3A_360 = arith.constant 4096 : i32
    %add3A_361 = vector.broadcast %add3A_360 : i32 to vector<512x1024xi32>
    %add3A_362 = arith.addi %iota3A_359, %add3A_361 : vector<512x1024xi32>
    %eq3A_363 = vector.broadcast %get3A_271 : vector<512x1xi32> to vector<512x1024xi32>
    %eq3A_364 = arith.cmpi eq, %eq3A_363, %add3A_362 : vector<512x1024xi32>
    %convert_element_type3A_365 = arith.extui %eq3A_364 : vector<512x1024xi1> to vector<512x1024xi32>
    %convert_element_type3A_366 = arith.sitofp %convert_element_type3A_365 : vector<512x1024xi32> to vector<512x1024xf32>
    %convert_element_type3A_367 = arith.truncf %convert_element_type3A_366 : vector<512x1024xf32> to vector<512x1024xbf16>
    %dot_general3A_368 = arith.constant dense<0.000000e+00> : vector<1024x256xf32>
    %dot_general3A_369 = tpu.matmul %convert_element_type3A_367, %convert_element_type3A_272, %dot_general3A_368 {dimension_numbers = #tpu.dot_dimension_numbers<[0], [0], [1], [1], [0, 1, 1, 1], [], []>, transpose_lhs_hint = false} : vector<512x1024xbf16>, vector<512x256xbf16>, vector<1024x256xf32> -> vector<1024x256xf32>
    %dot_general3A_370 = arith.constant dense<0.000000e+00> : vector<1024x256xf32>
    %dot_general3A_371 = tpu.matmul %convert_element_type3A_367, %convert_element_type3A_275, %dot_general3A_370 {dimension_numbers = #tpu.dot_dimension_numbers<[0], [0], [1], [1], [0, 1, 1, 1], [], []>, transpose_lhs_hint = false} : vector<512x1024xbf16>, vector<512x256xbf16>, vector<1024x256xf32> -> vector<1024x256xf32>
    %add3A_372 = arith.addf %dot_general3A_369, %dot_general3A_371 : vector<1024x256xf32>
    %get3A_373 = arith.constant 4096 : index
    %get3A_374 = arith.constant 0 : index
    %get3A_375 = vector.load %arg12[%get3A_373, %get3A_374] : memref<10240x256xf32, #tpu.memory_space<vmem>>, vector<1024x256xf32>
    %add3A_376 = arith.addf %get3A_375, %add3A_372 : vector<1024x256xf32>
    %swap3A_377 = arith.constant 4096 : index
    %swap3A_378 = arith.constant 0 : index
    %swap3A_379 = vector.load %arg12[%swap3A_377, %swap3A_378] : memref<10240x256xf32, #tpu.memory_space<vmem>>, vector<1024x256xf32>
    tpu.vector_store %arg12[%swap3A_377, %swap3A_378], %add3A_376 {strides = array<i32>} : memref<10240x256xf32, #tpu.memory_space<vmem>>, vector<1024x256xf32>,
    %iota3A_380 = tpu.iota {dimensions = array<i32: 1>} : vector<512x1024xi32>
    %add3A_381 = arith.constant 5120 : i32
    %add3A_382 = vector.broadcast %add3A_381 : i32 to vector<512x1024xi32>
    %add3A_383 = arith.addi %iota3A_380, %add3A_382 : vector<512x1024xi32>
    %eq3A_384 = vector.broadcast %get3A_271 : vector<512x1xi32> to vector<512x1024xi32>
    %eq3A_385 = arith.cmpi eq, %eq3A_384, %add3A_383 : vector<512x1024xi32>
    %convert_element_type3A_386 = arith.extui %eq3A_385 : vector<512x1024xi1> to vector<512x1024xi32>
    %convert_element_type3A_387 = arith.sitofp %convert_element_type3A_386 : vector<512x1024xi32> to vector<512x1024xf32>
    %convert_element_type3A_388 = arith.truncf %convert_element_type3A_387 : vector<512x1024xf32> to vector<512x1024xbf16>
    %dot_general3A_389 = arith.constant dense<0.000000e+00> : vector<1024x256xf32>
    %dot_general3A_390 = tpu.matmul %convert_element_type3A_388, %convert_element_type3A_272, %dot_general3A_389 {dimension_numbers = #tpu.dot_dimension_numbers<[0], [0], [1], [1], [0, 1, 1, 1], [], []>, transpose_lhs_hint = false} : vector<512x1024xbf16>, vector<512x256xbf16>, vector<1024x256xf32> -> vector<1024x256xf32>
    %dot_general3A_391 = arith.constant dense<0.000000e+00> : vector<1024x256xf32>
    %dot_general3A_392 = tpu.matmul %convert_element_type3A_388, %convert_element_type3A_275, %dot_general3A_391 {dimension_numbers = #tpu.dot_dimension_numbers<[0], [0], [1], [1], [0, 1, 1, 1], [], []>, transpose_lhs_hint = false} : vector<512x1024xbf16>, vector<512x256xbf16>, vector<1024x256xf32> -> vector<1024x256xf32>
    %add3A_393 = arith.addf %dot_general3A_390, %dot_general3A_392 : vector<1024x256xf32>
    %get3A_394 = arith.constant 5120 : index
    %get3A_395 = arith.constant 0 : index
    %get3A_396 = vector.load %arg12[%get3A_394, %get3A_395] : memref<10240x256xf32, #tpu.memory_space<vmem>>, vector<1024x256xf32>
    %add3A_397 = arith.addf %get3A_396, %add3A_393 : vector<1024x256xf32>
    %swap3A_398 = arith.constant 5120 : index
    %swap3A_399 = arith.constant 0 : index
    %swap3A_400 = vector.load %arg12[%swap3A_398, %swap3A_399] : memref<10240x256xf32, #tpu.memory_space<vmem>>, vector<1024x256xf32>
    tpu.vector_store %arg12[%swap3A_398, %swap3A_399], %add3A_397 {strides = array<i32>} : memref<10240x256xf32, #tpu.memory_space<vmem>>, vector<1024x256xf32>,
    %iota3A_401 = tpu.iota {dimensions = array<i32: 1>} : vector<512x1024xi32>
    %add3A_402 = arith.constant 6144 : i32
    %add3A_403 = vector.broadcast %add3A_402 : i32 to vector<512x1024xi32>
    %add3A_404 = arith.addi %iota3A_401, %add3A_403 : vector<512x1024xi32>
    %eq3A_405 = vector.broadcast %get3A_271 : vector<512x1xi32> to vector<512x1024xi32>
    %eq3A_406 = arith.cmpi eq, %eq3A_405, %add3A_404 : vector<512x1024xi32>
    %convert_element_type3A_407 = arith.extui %eq3A_406 : vector<512x1024xi1> to vector<512x1024xi32>
    %convert_element_type3A_408 = arith.sitofp %convert_element_type3A_407 : vector<512x1024xi32> to vector<512x1024xf32>
    %convert_element_type3A_409 = arith.truncf %convert_element_type3A_408 : vector<512x1024xf32> to vector<512x1024xbf16>
    %dot_general3A_410 = arith.constant dense<0.000000e+00> : vector<1024x256xf32>
    %dot_general3A_411 = tpu.matmul %convert_element_type3A_409, %convert_element_type3A_272, %dot_general3A_410 {dimension_numbers = #tpu.dot_dimension_numbers<[0], [0], [1], [1], [0, 1, 1, 1], [], []>, transpose_lhs_hint = false} : vector<512x1024xbf16>, vector<512x256xbf16>, vector<1024x256xf32> -> vector<1024x256xf32>
    %dot_general3A_412 = arith.constant dense<0.000000e+00> : vector<1024x256xf32>
    %dot_general3A_413 = tpu.matmul %convert_element_type3A_409, %convert_element_type3A_275, %dot_general3A_412 {dimension_numbers = #tpu.dot_dimension_numbers<[0], [0], [1], [1], [0, 1, 1, 1], [], []>, transpose_lhs_hint = false} : vector<512x1024xbf16>, vector<512x256xbf16>, vector<1024x256xf32> -> vector<1024x256xf32>
    %add3A_414 = arith.addf %dot_general3A_411, %dot_general3A_413 : vector<1024x256xf32>
    %get3A_415 = arith.constant 6144 : index
    %get3A_416 = arith.constant 0 : index
    %get3A_417 = vector.load %arg12[%get3A_415, %get3A_416] : memref<10240x256xf32, #tpu.memory_space<vmem>>, vector<1024x256xf32>
    %add3A_418 = arith.addf %get3A_417, %add3A_414 : vector<1024x256xf32>
    %swap3A_419 = arith.constant 6144 : index
    %swap3A_420 = arith.constant 0 : index
    %swap3A_421 = vector.load %arg12[%swap3A_419, %swap3A_420] : memref<10240x256xf32, #tpu.memory_space<vmem>>, vector<1024x256xf32>
    tpu.vector_store %arg12[%swap3A_419, %swap3A_420], %add3A_418 {strides = array<i32>} : memref<10240x256xf32, #tpu.memory_space<vmem>>, vector<1024x256xf32>,
    %iota3A_422 = tpu.iota {dimensions = array<i32: 1>} : vector<512x1024xi32>
    %add3A_423 = arith.constant 7168 : i32
    %add3A_424 = vector.broadcast %add3A_423 : i32 to vector<512x1024xi32>
    %add3A_425 = arith.addi %iota3A_422, %add3A_424 : vector<512x1024xi32>
    %eq3A_426 = vector.broadcast %get3A_271 : vector<512x1xi32> to vector<512x1024xi32>
    %eq3A_427 = arith.cmpi eq, %eq3A_426, %add3A_425 : vector<512x1024xi32>
    %convert_element_type3A_428 = arith.extui %eq3A_427 : vector<512x1024xi1> to vector<512x1024xi32>
    %convert_element_type3A_429 = arith.sitofp %convert_element_type3A_428 : vector<512x1024xi32> to vector<512x1024xf32>
    %convert_element_type3A_430 = arith.truncf %convert_element_type3A_429 : vector<512x1024xf32> to vector<512x1024xbf16>
    %dot_general3A_431 = arith.constant dense<0.000000e+00> : vector<1024x256xf32>
    %dot_general3A_432 = tpu.matmul %convert_element_type3A_430, %convert_element_type3A_272, %dot_general3A_431 {dimension_numbers = #tpu.dot_dimension_numbers<[0], [0], [1], [1], [0, 1, 1, 1], [], []>, transpose_lhs_hint = false} : vector<512x1024xbf16>, vector<512x256xbf16>, vector<1024x256xf32> -> vector<1024x256xf32>
    %dot_general3A_433 = arith.constant dense<0.000000e+00> : vector<1024x256xf32>
    %dot_general3A_434 = tpu.matmul %convert_element_type3A_430, %convert_element_type3A_275, %dot_general3A_433 {dimension_numbers = #tpu.dot_dimension_numbers<[0], [0], [1], [1], [0, 1, 1, 1], [], []>, transpose_lhs_hint = false} : vector<512x1024xbf16>, vector<512x256xbf16>, vector<1024x256xf32> -> vector<1024x256xf32>
    %add3A_435 = arith.addf %dot_general3A_432, %dot_general3A_434 : vector<1024x256xf32>
    %get3A_436 = arith.constant 7168 : index
    %get3A_437 = arith.constant 0 : index
    %get3A_438 = vector.load %arg12[%get3A_436, %get3A_437] : memref<10240x256xf32, #tpu.memory_space<vmem>>, vector<1024x256xf32>
    %add3A_439 = arith.addf %get3A_438, %add3A_435 : vector<1024x256xf32>
    %swap3A_440 = arith.constant 7168 : index
    %swap3A_441 = arith.constant 0 : index
    %swap3A_442 = vector.load %arg12[%swap3A_440, %swap3A_441] : memref<10240x256xf32, #tpu.memory_space<vmem>>, vector<1024x256xf32>
    tpu.vector_store %arg12[%swap3A_440, %swap3A_441], %add3A_439 {strides = array<i32>} : memref<10240x256xf32, #tpu.memory_space<vmem>>, vector<1024x256xf32>,
    %iota3A_443 = tpu.iota {dimensions = array<i32: 1>} : vector<512x1024xi32>
    %add3A_444 = arith.constant 8192 : i32
    %add3A_445 = vector.broadcast %add3A_444 : i32 to vector<512x1024xi32>
    %add3A_446 = arith.addi %iota3A_443, %add3A_445 : vector<512x1024xi32>
    %eq3A_447 = vector.broadcast %get3A_271 : vector<512x1xi32> to vector<512x1024xi32>
    %eq3A_448 = arith.cmpi eq, %eq3A_447, %add3A_446 : vector<512x1024xi32>
    %convert_element_type3A_449 = arith.extui %eq3A_448 : vector<512x1024xi1> to vector<512x1024xi32>
    %convert_element_type3A_450 = arith.sitofp %convert_element_type3A_449 : vector<512x1024xi32> to vector<512x1024xf32>
    %convert_element_type3A_451 = arith.truncf %convert_element_type3A_450 : vector<512x1024xf32> to vector<512x1024xbf16>
    %dot_general3A_452 = arith.constant dense<0.000000e+00> : vector<1024x256xf32>
    %dot_general3A_453 = tpu.matmul %convert_element_type3A_451, %convert_element_type3A_272, %dot_general3A_452 {dimension_numbers = #tpu.dot_dimension_numbers<[0], [0], [1], [1], [0, 1, 1, 1], [], []>, transpose_lhs_hint = false} : vector<512x1024xbf16>, vector<512x256xbf16>, vector<1024x256xf32> -> vector<1024x256xf32>
    %dot_general3A_454 = arith.constant dense<0.000000e+00> : vector<1024x256xf32>
    %dot_general3A_455 = tpu.matmul %convert_element_type3A_451, %convert_element_type3A_275, %dot_general3A_454 {dimension_numbers = #tpu.dot_dimension_numbers<[0], [0], [1], [1], [0, 1, 1, 1], [], []>, transpose_lhs_hint = false} : vector<512x1024xbf16>, vector<512x256xbf16>, vector<1024x256xf32> -> vector<1024x256xf32>
    %add3A_456 = arith.addf %dot_general3A_453, %dot_general3A_455 : vector<1024x256xf32>
    %get3A_457 = arith.constant 8192 : index
    %get3A_458 = arith.constant 0 : index
    %get3A_459 = vector.load %arg12[%get3A_457, %get3A_458] : memref<10240x256xf32, #tpu.memory_space<vmem>>, vector<1024x256xf32>
    %add3A_460 = arith.addf %get3A_459, %add3A_456 : vector<1024x256xf32>
    %swap3A_461 = arith.constant 8192 : index
    %swap3A_462 = arith.constant 0 : index
    %swap3A_463 = vector.load %arg12[%swap3A_461, %swap3A_462] : memref<10240x256xf32, #tpu.memory_space<vmem>>, vector<1024x256xf32>
    tpu.vector_store %arg12[%swap3A_461, %swap3A_462], %add3A_460 {strides = array<i32>} : memref<10240x256xf32, #tpu.memory_space<vmem>>, vector<1024x256xf32>,
    %iota3A_464 = tpu.iota {dimensions = array<i32: 1>} : vector<512x1024xi32>
    %add3A_465 = arith.constant 9216 : i32
    %add3A_466 = vector.broadcast %add3A_465 : i32 to vector<512x1024xi32>
    %add3A_467 = arith.addi %iota3A_464, %add3A_466 : vector<512x1024xi32>
    %eq3A_468 = vector.broadcast %get3A_271 : vector<512x1xi32> to vector<512x1024xi32>
    %eq3A_469 = arith.cmpi eq, %eq3A_468, %add3A_467 : vector<512x1024xi32>
    %convert_element_type3A_470 = arith.extui %eq3A_469 : vector<512x1024xi1> to vector<512x1024xi32>
    %convert_element_type3A_471 = arith.sitofp %convert_element_type3A_470 : vector<512x1024xi32> to vector<512x1024xf32>
    %convert_element_type3A_472 = arith.truncf %convert_element_type3A_471 : vector<512x1024xf32> to vector<512x1024xbf16>
    %dot_general3A_473 = arith.constant dense<0.000000e+00> : vector<1024x256xf32>
    %dot_general3A_474 = tpu.matmul %convert_element_type3A_472, %convert_element_type3A_272, %dot_general3A_473 {dimension_numbers = #tpu.dot_dimension_numbers<[0], [0], [1], [1], [0, 1, 1, 1], [], []>, transpose_lhs_hint = false} : vector<512x1024xbf16>, vector<512x256xbf16>, vector<1024x256xf32> -> vector<1024x256xf32>
    %dot_general3A_475 = arith.constant dense<0.000000e+00> : vector<1024x256xf32>
    %dot_general3A_476 = tpu.matmul %convert_element_type3A_472, %convert_element_type3A_275, %dot_general3A_475 {dimension_numbers = #tpu.dot_dimension_numbers<[0], [0], [1], [1], [0, 1, 1, 1], [], []>, transpose_lhs_hint = false} : vector<512x1024xbf16>, vector<512x256xbf16>, vector<1024x256xf32> -> vector<1024x256xf32>
    %add3A_477 = arith.addf %dot_general3A_474, %dot_general3A_476 : vector<1024x256xf32>
    %get3A_478 = arith.constant 9216 : index
    %get3A_479 = arith.constant 0 : index
    %get3A_480 = vector.load %arg12[%get3A_478, %get3A_479] : memref<10240x256xf32, #tpu.memory_space<vmem>>, vector<1024x256xf32>
    %add3A_481 = arith.addf %get3A_480, %add3A_477 : vector<1024x256xf32>
    %swap3A_482 = arith.constant 9216 : index
    %swap3A_483 = arith.constant 0 : index
    %swap3A_484 = vector.load %arg12[%swap3A_482, %swap3A_483] : memref<10240x256xf32, #tpu.memory_space<vmem>>, vector<1024x256xf32>
    tpu.vector_store %arg12[%swap3A_482, %swap3A_483], %add3A_481 {strides = array<i32>} : memref<10240x256xf32, #tpu.memory_space<vmem>>, vector<1024x256xf32>,
    return
  }
  func.func @transform_0(%arg0: i32) -> (i32, i32) {
    %c0_i32 = arith.constant 0 : i32
    %c0_i32_0 = arith.constant 0 : i32
    return %arg0, %c0_i32 : i32, i32
  }
  func.func @transform_1(%arg0: i32) -> (i32, i32) {
    %c0_i32 = arith.constant 0 : i32
    %c0_i32_0 = arith.constant 0 : i32
    return %arg0, %c0_i32 : i32, i32
  }
  func.func @transform_2(%arg0: i32) -> (i32, i32) {
    %c0_i32 = arith.constant 0 : i32
    %c0_i32_0 = arith.constant 0 : i32
    return %arg0, %c0_i32 : i32, i32
  }
  func.func @transform_3(%arg0: i32) -> (i32, i32) {
    %c0_i32 = arith.constant 0 : i32
    %c0_i32_0 = arith.constant 0 : i32
    return %arg0, %c0_i32 : i32, i32
  }
  func.func @transform_4(%arg0: i32) -> (i32, i32) {
    %c0_i32 = arith.constant 0 : i32
    %c0_i32_0 = arith.constant 0 : i32
    return %arg0, %c0_i32 : i32, i32
  }
  func.func @transform_5(%arg0: i32) -> (i32, i32, i32) {
    %c0_i32 = arith.constant 0 : i32
    %c0_i32_0 = arith.constant 0 : i32
    %c0_i32_1 = arith.constant 0 : i32
    %c0_i32_2 = arith.constant 0 : i32
    return %c0_i32, %c0_i32_0, %c0_i32_1 : i32, i32, i32
  }
  func.func @transform_6(%arg0: i32) -> (i32, i32, i32) {
    %c0_i32 = arith.constant 0 : i32
    %c0_i32_0 = arith.constant 0 : i32
    %c0_i32_1 = arith.constant 0 : i32
    %c0_i32_2 = arith.constant 0 : i32
    return %c0_i32, %c0_i32_0, %c0_i32_1 : i32, i32, i32
  }
  func.func @transform_7(%arg0: i32) -> (i32, i32, i32) {
    %c0_i32 = arith.constant 0 : i32
    %c0_i32_0 = arith.constant 0 : i32
    %c0_i32_1 = arith.constant 0 : i32
    %c0_i32_2 = arith.constant 0 : i32
    return %c0_i32, %c0_i32_0, %c0_i32_1 : i32, i32, i32
  }
  func.func @transform_8(%arg0: i32) -> (i32, i32, i32) {
    %c0_i32 = arith.constant 0 : i32
    %c0_i32_0 = arith.constant 0 : i32
    %c0_i32_1 = arith.constant 0 : i32
    %c0_i32_2 = arith.constant 0 : i32
    return %c0_i32, %c0_i32_0, %c0_i32_1 : i32, i32, i32
  }
  func.func @transform_9(%arg0: i32) -> (i32, i32, i32) {
    %c0_i32 = arith.constant 0 : i32
    %c0_i32_0 = arith.constant 0 : i32
    %c0_i32_1 = arith.constant 0 : i32
    %c0_i32_2 = arith.constant 0 : i32
    return %c0_i32, %c0_i32_0, %c0_i32_1 : i32, i32, i32
  }
  func.func @transform_10(%arg0: i32) -> (i32, i32, i32) {
    %c0_i32 = arith.constant 0 : i32
    %c0_i32_0 = arith.constant 0 : i32
    %c0_i32_1 = arith.constant 0 : i32
    %c0_i32_2 = arith.constant 0 : i32
    return %c0_i32, %c0_i32_0, %c0_i32_1 : i32, i32, i32
  }
  func.func @transform_11(%arg0: i32) -> (i32, i32) {
    %c0_i32 = arith.constant 0 : i32
    %c0_i32_0 = arith.constant 0 : i32
    %c0_i32_1 = arith.constant 0 : i32
    return %c0_i32, %c0_i32_0 : i32, i32
  }
}

module attributes {stable_mosaic.version = 14 : i64} {
  func.func @tc_layernorm(%arg0: i32, %arg1: memref<40x256xf32, #tpu.memory_space<vmem>>, %arg2: memref<40x256xf32, #tpu.memory_space<vmem>>, %arg3: memref<1x256xf32, #tpu.memory_space<vmem>>, %arg4: memref<1x256xf32, #tpu.memory_space<vmem>>, %arg5: memref<40x256xf32, #tpu.memory_space<vmem>>) attributes {dimension_semantics = [#tpu.dimension_semantics<arbitrary>], iteration_bounds = array<i64: 250>, scalar_prefetch = 0 : i64, scratch_operands = 0 : i64, tpu.core_type = #tpu.core_type<tc>, window_params = [{transform_indices = @transform_0, window_bounds = array<i64: 40, 256>}, {transform_indices = @transform_1, window_bounds = array<i64: 40, 256>}, {pipeline_mode = #tpu.pipeline_mode<synchronous>, transform_indices = @transform_2, window_bounds = array<i64: 1, 256>}, {pipeline_mode = #tpu.pipeline_mode<synchronous>, transform_indices = @transform_3, window_bounds = array<i64: 1, 256>}, {transform_indices = @transform_4, window_bounds = array<i64: 40, 256>}]} {
    %get3A = arith.constant 0 : index
    %get3A_0 = arith.constant 0 : index
    %get3A_1 = vector.load %arg1[%get3A, %get3A_0] : memref<40x256xf32, #tpu.memory_space<vmem>>, vector<40x256xf32>
    %get3A_2 = arith.constant 0 : index
    %get3A_3 = arith.constant 0 : index
    %get3A_4 = vector.load %arg2[%get3A_2, %get3A_3] : memref<40x256xf32, #tpu.memory_space<vmem>>, vector<40x256xf32>
    %add3A = arith.addf %get3A_1, %get3A_4 : vector<40x256xf32>
    %reduce_sum3A = arith.constant dense<0.000000e+00> : vector<40xf32>
    %reduce_sum3A_5 = vector.multi_reduction <add>, %add3A, %reduce_sum3A [1] : vector<40x256xf32> to vector<40xf32>
    %broadcast_in_dim3A = vector.shape_cast %reduce_sum3A_5 : vector<40xf32> to vector<40x1xf32>
    %div3A = arith.constant 2.560000e+02 : f32
    %div3A_6 = vector.broadcast %div3A : f32 to vector<40x1xf32>
    %div3A_7 = arith.divf %broadcast_in_dim3A, %div3A_6 : vector<40x1xf32>
    %sub3A = vector.broadcast %div3A_7 : vector<40x1xf32> to vector<40x256xf32>
    %sub3A_8 = arith.subf %add3A, %sub3A : vector<40x256xf32>
    %mul3A = arith.mulf %sub3A_8, %sub3A_8 : vector<40x256xf32>
    %reduce_sum3A_9 = arith.constant dense<0.000000e+00> : vector<40xf32>
    %reduce_sum3A_10 = vector.multi_reduction <add>, %mul3A, %reduce_sum3A_9 [1] : vector<40x256xf32> to vector<40xf32>
    %broadcast_in_dim3A_11 = vector.shape_cast %reduce_sum3A_10 : vector<40xf32> to vector<40x1xf32>
    %div3A_12 = arith.constant 2.560000e+02 : f32
    %div3A_13 = vector.broadcast %div3A_12 : f32 to vector<40x1xf32>
    %div3A_14 = arith.divf %broadcast_in_dim3A_11, %div3A_13 : vector<40x1xf32>
    %add3A_15 = arith.constant 9.99999974E-6 : f32
    %add3A_16 = vector.broadcast %add3A_15 : f32 to vector<40x1xf32>
    %add3A_17 = arith.addf %div3A_14, %add3A_16 : vector<40x1xf32>
    %rsqrt3A = math.rsqrt %add3A_17 : vector<40x1xf32>
    %mul3A_18 = vector.broadcast %rsqrt3A : vector<40x1xf32> to vector<40x256xf32>
    %mul3A_19 = arith.mulf %sub3A_8, %mul3A_18 : vector<40x256xf32>
    %get3A_20 = arith.constant 0 : index
    %get3A_21 = arith.constant 0 : index
    %get3A_22 = vector.load %arg3[%get3A_20, %get3A_21] : memref<1x256xf32, #tpu.memory_space<vmem>>, vector<1x256xf32>
    %mul3A_23 = vector.broadcast %get3A_22 : vector<1x256xf32> to vector<40x256xf32>
    %mul3A_24 = arith.mulf %mul3A_19, %mul3A_23 : vector<40x256xf32>
    %get3A_25 = arith.constant 0 : index
    %get3A_26 = arith.constant 0 : index
    %get3A_27 = vector.load %arg4[%get3A_25, %get3A_26] : memref<1x256xf32, #tpu.memory_space<vmem>>, vector<1x256xf32>
    %add3A_28 = vector.broadcast %get3A_27 : vector<1x256xf32> to vector<40x256xf32>
    %add3A_29 = arith.addf %mul3A_24, %add3A_28 : vector<40x256xf32>
    %swap3A = arith.constant 0 : index
    %swap3A_30 = arith.constant 0 : index
    %swap3A_31 = vector.load %arg5[%swap3A, %swap3A_30] : memref<40x256xf32, #tpu.memory_space<vmem>>, vector<40x256xf32>
    tpu.vector_store %arg5[%swap3A, %swap3A_30], %add3A_29 {strides = array<i32>} : memref<40x256xf32, #tpu.memory_space<vmem>>, vector<40x256xf32>,
    return
  }
  func.func @transform_0(%arg0: i32) -> (i32, i32) {
    %c0_i32 = arith.constant 0 : i32
    %c0_i32_0 = arith.constant 0 : i32
    return %arg0, %c0_i32 : i32, i32
  }
  func.func @transform_1(%arg0: i32) -> (i32, i32) {
    %c0_i32 = arith.constant 0 : i32
    %c0_i32_0 = arith.constant 0 : i32
    return %arg0, %c0_i32 : i32, i32
  }
  func.func @transform_2(%arg0: i32) -> (i32, i32) {
    %c0_i32 = arith.constant 0 : i32
    %c0_i32_0 = arith.constant 0 : i32
    %c0_i32_1 = arith.constant 0 : i32
    return %c0_i32, %c0_i32_0 : i32, i32
  }
  func.func @transform_3(%arg0: i32) -> (i32, i32) {
    %c0_i32 = arith.constant 0 : i32
    %c0_i32_0 = arith.constant 0 : i32
    %c0_i32_1 = arith.constant 0 : i32
    return %c0_i32, %c0_i32_0 : i32, i32
  }
  func.func @transform_4(%arg0: i32) -> (i32, i32) {
    %c0_i32 = arith.constant 0 : i32
    %c0_i32_0 = arith.constant 0 : i32
    return %arg0, %c0_i32 : i32, i32
  }
}

</mosaic_0001>

<sc_bundles>
// kernel: sc_den_gather.3.cloned.1.call-start
scs
__scs_entry_jumppad:
0x0: {  	(pc) =	sbr.rel $0x88, $3  }
0x1: {  	(tag) =	ssettag $0x0;
	lr =	simm.s32 $0x1  }
0x2: {  	[smem:$0x3F92] =	sst lr;
	_ =	strace $0xD0000000  }
0x3: {  	_ = 	snop  }
0x4: {  	_ = 	snop  }
0x5: {  	_ = 	snop  }
0x6: {  	_ = 	snop  }
0x7: {  	_ = 	snop  }
__scs_overlays_trampoline_lowered:
0x8: {  	[smem:$0x3FA1] =	sst s0  }
0x9: {  	[smem:$0x3FA2] =	sst s1  }
0xa: {  	[smem:$0x3FA3] =	sst s2  }
0xb: {  	[smem:$0x3FA4] =	sst s3  }
0xc: {  	[smem:$0x3FA5] =	sst s4  }
0xd: {  	[smem:$0x3FA6] =	sst s5  }
0xe: {  	[smem:$0x3FA7] =	sst s6  }
0xf: {  	[smem:$0x3FA8] =	sst s7  }
0x10: {  	[smem:$0x3FA9] =	sst s8  }
0x11: {  	[smem:$0x3FAA] =	sst s9;
	s0 =	simm.s32 @!p0 $0x0  }
0x12: {  	s1 =	sld [smem:$0x3F90];
	s0 =	simm.s32 @p0 $0x1  }
0x13: {  	[smem:$0x3FAB] =	sst s0;
	s0 =	simm.s32 @!p1 $0x0  }
0x14: {  	s2 =	sld [smem:$0x3F8F];
	s0 =	simm.s32 @p1 $0x1  }
0x15: {  	[smem:$0x3FAC] =	sst s0;
	s0 =	simm.s32 @!p2 $0x0  }
0x16: {  	s3 =	sld [smem:$0x3FDB];
	s0 =	simm.s32 @p2 $0x1  }
0x17: {  	s4 =	simm.s32 $0x1BF5;
	[smem:$0x3FAE] =	sst s0  }
0x18: {  	s0 =	sld [smem:$0x3F91];
	_ =	swait.ge [sflag:s4], $0x0  }
0x19: {  	s7 =	sld [smem:$0x3F92]  }
0x1a: {  	s8 =	sadd.s32 $0xFFFFE003, lr  }
0x1b: {  	s9 =	sadd.s32 $0xFFFFFEF7, lr;
	s5 =	simm.s32 $0xFFFFFFFF;
	p2 =	slt.u32 s8, $0xFFFFF086  }
0x1c: {  	p1 =	slt.u32 s9, $0xF7A;
	s5 =	simm.s32 @!p2 $0x0  }
0x1d: {  	s5 =	simm.s32 @p1 $0x1;
	p0 =	seq.s32 s7, s2  }
0x1e: {  	s7 =	smul.u32 @!p0 $0xF7A, s2;
	p2 =	seq.s32 @!p0 s5, $0x0  }
0x1f: {  	s9 =	smul.u32 $0xF7A, s1;
	s8 =	simm.s32 @!p0 $0x1BF5;
	p2 =	por !p2, p0  }
0x20: {  	[sflag:s8] =	ssyncset.s32 @!p0 $0xFFFFF086;
	s6 =	sadd.s32 @!p0 s3, s7;
	s7 =	simm.s32 @!p0 $0x108  }
0x21: {  	s3 =	sadd.s32 s3, s9;
	s6 =	sadd.s32 @!p0 $0x88, s6;
	s7 =	simm.s32 @p2 $0x1082  }
0x22: {  	[simem:s7], [sflag:s8] =	dma.local @!p0 [hbm:s6], $0xF7A  }
0x23: {  	s9 =	sor.u32 $0xD0000000, s2;
	s6 =	simm.s32 $0x108;
	_ =	swait.ge @!p0 [sflag:s8], $0x0  }
0x24: {  	s3 =	sadd.s32 $0x88, s3;
	s6 =	simm.s32 @!p1 $0x1082;
	[sflag:s4] =	ssyncset.s32 $0xFFFFF086  }
0x25: {  	[simem:s6], [sflag:s4] =	dma.local [hbm:s3], $0xF7A  }
0x26: {  	[smem:$0x3F92] =	sst s1;
	(tag) =	ssettag s2;
	_ =	strace s9  }
0x27: {  	s1 =	sld [smem:$0x3FA2]  }
0x28: {  	s2 =	sld [smem:$0x3FA3]  }
0x29: {  	s4 =	sld [smem:$0x3FA5]  }
0x2a: {  	p0 =	seq.s32 s5, $0x0;
	s5 =	sld [smem:$0x3FA6]  }
0x2b: {  	s6 =	sld [smem:$0x3FA7]  }
0x2c: {  	s7 =	sld [smem:$0x3FA8]  }
0x2d: {  	s3 =	simm.s32 $0x108;
	s8 =	sld [smem:$0x3FA9]  }
0x2e: {  	s3 =	simm.s32 @!p0 $0x1082;
	s9 =	sld [smem:$0x3FAA]  }
0x2f: {  	lr =	sadd.s32 s0, s3;
	s0 =	sld [smem:$0x3FA1]  }
0x30: {  	s3 =	sld [smem:$0x3FA4]  }
0x31: {  	[smem:$0x3FAD] =	sst s10  }
0x32: {  	s10 =	sld [smem:$0x3FAB];
	_ =	sdelay $0x3  }
0x33: {  	p0 =	seq.s32 s10, $0x1;
	s10 =	sld [smem:$0x3FAD];
	_ =	sdelay $0x3  }
0x34: {  	[smem:$0x3FAD] =	sst s10  }
0x35: {  	s10 =	sld [smem:$0x3FAC];
	_ =	sdelay $0x3  }
0x36: {  	p1 =	seq.s32 s10, $0x1;
	s10 =	sld [smem:$0x3FAD];
	_ =	sdelay $0x3  }
0x37: {  	[smem:$0x3FAD] =	sst s10  }
0x38: {  	s10 =	sld [smem:$0x3FAE]  }
0x39: {  	_ = 	snop;
	(pc) =	sbr.ind lr, $3  }
0x3a: {  	_ = 	snop  }
0x3b: {  	_ = 	snop  }
0x3c: {  	p2 =	seq.s32 s10, $0x1;
	s10 =	sld [smem:$0x3FAD]  }
0x3d: {  	_ =	shalt  }
0x3e: {  	_ =	shalt  }
0x3f: {  	_ =	shalt  }
0x40: {  	_ =	shalt  }
0x41: {  	_ =	shalt  }
0x42: {  	_ =	shalt  }
0x43: {  	_ =	shalt  }
0x44: {  	_ =	shalt  }
0x45: {  	_ =	shalt  }
0x46: {  	_ =	shalt  }
0x47: {  	_ =	shalt  }
0x48: {  	_ =	shalt  }
0x49: {  	_ =	shalt  }
0x4a: {  	_ =	shalt  }
0x4b: {  	_ =	shalt  }
0x4c: {  	_ =	shalt  }
0x4d: {  	_ =	shalt  }
0x4e: {  	_ =	shalt  }
0x4f: {  	_ =	shalt  }
0x50: {  	_ =	shalt  }
0x51: {  	_ =	shalt  }
0x52: {  	_ =	shalt  }
0x53: {  	_ =	shalt  }
0x54: {  	_ =	shalt  }
0x55: {  	_ =	shalt  }
0x56: {  	_ =	shalt  }
0x57: {  	_ =	shalt  }
0x58: {  	_ =	shalt  }
0x59: {  	_ =	shalt  }
0x5a: {  	_ =	shalt  }
0x5b: {  	_ =	shalt  }
0x5c: {  	_ =	shalt  }
0x5d: {  	_ =	shalt  }
0x5e: {  	_ =	shalt  }
0x5f: {  	_ =	shalt  }
0x60: {  	_ =	shalt  }
0x61: {  	_ =	shalt  }
0x62: {  	_ =	shalt  }
0x63: {  	_ =	shalt  }
0x64: {  	_ =	shalt  }
0x65: {  	_ =	shalt  }
0x66: {  	_ =	shalt  }
0x67: {  	_ =	shalt  }
0x68: {  	_ =	shalt  }
0x69: {  	_ =	shalt  }
0x6a: {  	_ =	shalt  }
0x6b: {  	_ =	shalt  }
0x6c: {  	_ =	shalt  }
0x6d: {  	_ =	shalt  }
0x6e: {  	_ =	shalt  }
0x6f: {  	_ =	shalt  }
0x70: {  	_ =	shalt  }
0x71: {  	_ =	shalt  }
0x72: {  	_ =	shalt  }
0x73: {  	_ =	shalt  }
0x74: {  	_ =	shalt  }
0x75: {  	_ =	shalt  }
0x76: {  	_ =	shalt  }
0x77: {  	_ =	shalt  }
0x78: {  	_ =	shalt  }
0x79: {  	_ =	shalt  }
0x7a: {  	_ =	shalt  }
0x7b: {  	_ =	shalt  }
0x7c: {  	_ =	shalt  }
0x7d: {  	_ =	shalt  }
0x7e: {  	_ =	shalt  }
0x7f: {  	_ =	shalt  }
0x80: {  	_ =	shalt  }
0x81: {  	_ =	shalt  }
0x82: {  	_ =	shalt  }
0x83: {  	_ =	shalt  }
0x84: {  	_ =	shalt  }
0x85: {  	_ =	shalt  }
0x86: {  	_ =	shalt  }
0x87: {  	_ =	shalt  }
.Lfunc_end0:
.L_simem_size_0:
called_computation.1_lowered:
.L_overlay_start_0:
0x88: {  	s2 =	sld [smem:$0x3FD9]  }
0x89: {  	s3 =	sld [smem:$0x3FFE];
	_ =	sdelay $0x1  }
0x8a: {  	s1 =	srdreg.scid  }
0x8b: {  	s0 =	sand.u32 $0x1, s1  }
0x8c: {  	s14 =	sshll.u32 s0, $0xA;
	s2 =	sadd.s32 s3, s2  }
0x8d: {  	s2 =	sadd.s32 s2, s14  }
0x8e: {  	[smem:$0x3FB9] =	sst s2  }
0x8f: {  	_ = 	snop  }
0x90: {  	s2 =	sld [smem:$0x3FD0];
	_ =	sdelay $0x2  }
0x91: {  	s15 =	simm.s32 $0xA;
	s4 =	simm.s32 $0x10  }
0x92: {  	[smem:s4], [sflag:s15] =	dma.local [hbm:s2], $0x1  }
0x93: {  	_ =	swait.eq [sflag:s15], $0x1  }
0x94: {  	[sflag:s15] =	ssyncset.done $0x0  }
0x95: {  	s16 =	sld [smem:$0x10];
	[sflag:s15] =	ssyncadd.s32 $0xFFFFFFFF  }
0x96: {  	s17 =	sld [smem:$0x11];
	(tm) =	ssettm $0x1  }
0x97: {  	s18 =	sld [smem:$0x3FFB];
	_ =	sdelay $0x3  }
0x98: {  	_ =	strace s18  }
0x99: {  	s4 =	sld [smem:$0x3FFC];
	_ =	sdelay $0x3  }
0x9a: {  	_ =	strace s4  }
0x9b: {  	s4 =	sld [smem:$0x3FFD];
	_ =	sdelay $0x3  }
0x9c: {  	_ =	strace s4  }
0x9d: {  	_ =	strace $0x8FFFFFFF  }
0x9e: {  	s19 =	sld [smem:$0x3FDB];
	_ =	sdelay $0x1  }
0x9f: {  	s5 =	simm.s32 $_scs_section_size  }
0xa0: {  	s6 =	simm.s32 $_size__tile_overlayer_lowered;
	s7 =	simm.s32 $_tile_overlayer_lowered  }
0xa1: {  	s22 =	simm.s32 $0x1BFF;
	s21 =	sshll.u32 s7, $0x1;
	s4 =	sadd.s32 s5, s19  }
0xa2: {  	s8 =	simm.s32 $0x0;
	s20 =	sshll.u32 s6, $0x1;
	s6 =	sadd.s32 s21, s4  }
0xa3: {  	[timem:s8], [sflag:s22] =	dma.local [hbm:s6], s20  }
0xa4: {  	_ =	swait.ge [sflag:s22], s20  }
0xa5: {  	s5 =	ssub.s32 $0x0, s20;
	[sflag:s22] =	ssyncset.done $0x0  }
0xa6: {  	[sflag:s22] =	ssyncadd.s32 s5;
	_ =	sdelay $0x1  }
0xa7: {  	s23 =	simm.s32 $0x1B8B  }
0xa8: {  	_ =	swait.ge [sflag:s23], $0x1  }
0xa9: {  	[sflag:s23] =	ssyncset.done $0x0  }
0xaa: {  	s25 =	simm.s32 $0x1B8E;
	s24 =	sld [smem:$0x3FFE];
	[sflag:s23] =	ssyncadd.s32 $0xFFFFFFFF  }
0xab: {  	s26 =	simm.s32 $execute0_lowered;
	[smem:$0x3FD2] =	sst s25  }
0xac: {  	s6 =	sshll.u32 s26, $0x1;
	_ =	strace $0x80000049;
	[dreg:$0x1] =	wrdreg $0xFFFFFFFF  }
0xad: {  	s28 =	simm.s32 $_size_execute0_lowered;
	s4 =	sadd.s32 s4, s6;
	[dreg:$0x0] =	wrdreg $0x0  }
0xae: {  	s6 =	sshll.u32 s28, $0x1;
	[dreg:$0x2] =	wrdreg s4  }
0xaf: {  	[dreg:$0x3] =	wrdreg s6  }
0xb0: {  	[dreg:$0x4] =	wrdreg $0xC0  }
0xb1: {  	_ =	task [dreg:s8], $0x5FFFF  }
0xb2: {  	[dreg:$0x1] =	wrdreg $0xFFFFFFFF  }
0xb3: {  	[dreg:$0x0] =	wrdreg $0x60  }
0xb4: {  	[dreg:$0x2] =	wrdreg s17  }
0xb5: {  	[dreg:$0x3] =	wrdreg s16  }
0xb6: {  	[dreg:$0x4] =	wrdreg s24  }
0xb7: {  	[dreg:$0x5] =	wrdreg $0x9  }
0xb8: {  	_ =	task.clear_ibuf [dreg:s8], $0x6FFFF;
	_ =	strace $0x90000049  }
0xb9: {  	s29 =	simm.s32 $0x9;
	_ =	strace $0x8000004B  }
0xba: {  	_ =	swait.ge [sflag:s29], $0x1  }
0xbb: {  	[sflag:s29] =	ssyncadd.s32 $0xFFFFFFFF  }
0xbc: {  	_ =	strace $0x9000004B  }
0xbd: {  	_ =	sfence  }
0xbe: {  	s30 =	sld [smem:$0x0];
	_ =	sdelay $0x2  }
0xbf: {  	s31 =	sshll.u32 s1, $0xD;
	s1 =	sshrl.u32 s1, $0x2  }
0xc0: {  	s3 =	sand.u32 $0x4000, s31;
	s1 =	sadd.s32 s1, s30  }
0xc1: {  	s0 =	sor.u32 s3, s0;
	s1 =	sshll.u32 s1, $0x11  }
0xc2: {  	s0 =	sor.u32 s1, s0  }
0xc3: {  	s0 =	sadd.s32 $0x8F2B, s0  }
0xc4: {  	[sflag:s0] =	ssyncadd.remote.s32 $0x1  }
0xc5: {  	_ =	sfence.sel $0xFFFF  }
0xc6: {  	[dreg:$0x0] =	wrdreg $0xFFFFFFFF;
	(pc) =	sbr.abs _section_cstart, $3  }
0xc7: {  	[dreg:$0x1] =	wrdreg $0xFFFFFFFF  }
0xc8: {  	_ =	task.clear_ibuf [dreg:s8], $0x2FFFF;
	_ =	strace $0x9FFFFFFF  }
0xc9: {  	(tm) =	ssettm $0x7FFFFFFF  }
tec
execute0_lowered:
.L_overlay_start_1:
0x0: {  	(tag) =	ssettag $0x1  }
0x1: {  	s1 =	rddreg [dreg:$0x0]  }
0x2: {  	s4 =	rddreg [dreg:$0x1];
	s0 =	srdreg.scid  }
0x3: {  	s5 =	rddreg [dreg:$0x2];
	s2 =	stileid.u32  }
0x4: {  	s3 =	simm.s32 $0x0;
	s6 =	sand.u32 $0x1, s0;
	s0 =	rddreg [dreg:$0x3]  }
0x5: {  	s11 =	simm.s32 $0x0;
	[smem:$0x7FF] =	sst s3;
	s10 =	smul.u32 $0x14000, s2  }
0x6: {  	s7 =	sshll.u32 s6, $0x4;
	s8 =	smul.u32 $0x140000, s6;
	s6 =	ssub.s32 $0x2, s6  }
0x7: {  	_ =	strace $0x8000004A;
	s7 =	sor.u32 s2, s7;
	s9 =	sshrl.u32 s6, $0x1  }
0x8: {  	s7 =	smul.u32 $0x1400, s7;
	s8 =	sadd.s32 s8, s5;
	s29 =	ssub.s32 s6, s9  }
0x9: {  	s9 =	simm.s32 $0x1400;
	s5 =	smax.u32 s29, $0x1;
	s31 =	sadd.s32 s10, s8  }
0xa: {  	s8 =	simm.s32 $0x80;
	s10 =	simm.s32 $0x1;
	s30 =	sshrl.u32 s7, $0x3  }
0xb: {  	s6 =	sadd.s32 $0x14F0200, s31;
	s7 =	simm.s32 $0x2;
	s4 =	sadd.s32 s4, s30  }
.LBB2_1:
0xc: {  	[tilespmem:s3], [sflag:$0x2] =	stream.linear.gather [hbm4b:s4+s3], $0x1400, $0x38;
	[tilespmem:$0x5400] =	vst v63  }
0xd: {  	_ =	swait.ge [sflag:s7], $0x1400  }
0xe: {  	[sflag:s7] =	ssyncset.done $0x0  }
0xf: {  	s12 =	simm.s32 $0x0;
	[sflag:s7] =	ssyncadd.s32 $0xFFFFEC00  }
0x10: {  	[tilespmem:s9], [sflag:$0x1] =	stream.indirect.gather [hbm4b:s1+s8], $0x80, s12, s8, $0xb8;
	[tilespmem:$0x5400] =	vst v63  }
0x11: {  	_ =	swait.ge [sflag:s10], $0x4000  }
0x12: {  	[sflag:s10] =	ssyncset.done $0x0  }
0x13: {  	[sflag:s10] =	ssyncadd.s32 $0xFFFFC000  }
0x14: {  	[hbm4b:s6+s3] =	stream.linear.scatter [tilespmem:s9], [sflag:$0x2], $0x4000, $0x38;
	[tilespmem:$0x5400] =	vst v63  }
0x15: {  	s13 =	simm.s32 $0x200;
	_ =	swait.ge [sflag:s7], $0x4000  }
0x16: {  	s14 =	simm.s32 $0x400;
	s12 =	sadd.s32 $0x800, s6;
	[sflag:s7] =	ssyncset.done $0x0  }
.LBB2_2:
0x17: {  	s15 =	sshra.s32 s13, $0x2  }
0x18: {  	[sflag:s7] =	ssyncadd.s32 $0xFFFFC000;
	s13 =	smov.u32 s14;
	s16 =	sadd.s32 $0x200, s14  }
0x19: {  	[tilespmem:s9], [sflag:$0x1] =	stream.indirect.gather [hbm4b:s1+s8], $0x80, s15, s8, $0xb8;
	[tilespmem:$0x5400] =	vst v63  }
0x1a: {  	p0 =	sne.s32 s14, $0x4E00;
	_ =	swait.ge [sflag:s10], $0x4000  }
.Ltmp0:
0x1b: {  	[sflag:s10] =	ssyncset.done $0x0;
	(pc) =	sbr.rel @p0 .LBB2_2-.Ltmp0, $4  }
0x1c: {  	[sflag:s10] =	ssyncadd.s32 $0xFFFFC000  }
0x1d: {  	[hbm4b:s12+s3] =	stream.linear.scatter [tilespmem:s9], [sflag:$0x2], $0x4000, $0x38;
	[tilespmem:$0x5400] =	vst v63  }
0x1e: {  	_ =	swait.ge [sflag:s7], $0x4000  }
0x1f: {  	s14 =	smov.u32 s16;
	s12 =	sadd.s32 $0x800, s12;
	[sflag:s7] =	ssyncset.done $0x0  }
0x20: {  	s13 =	sshra.s32 s13, $0x2;
	[sflag:s7] =	ssyncadd.s32 $0xFFFFC000  }
0x21: {  	[tilespmem:s9], [sflag:$0x1] =	stream.indirect.gather [hbm4b:s1+s8], $0x80, s13, s8, $0xb8;
	[tilespmem:$0x5400] =	vst v63  }
0x22: {  	s11 =	sadd.s32 $0x1, s11;
	_ =	swait.ge [sflag:s10], $0x4000  }
0x23: {  	p0 =	sne.s32 s11, s5;
	[sflag:s10] =	ssyncset.done $0x0  }
.Ltmp1:
0x24: {  	[sflag:s10] =	ssyncadd.s32 $0xFFFFC000;
	(pc) =	sbr.rel @p0 .LBB2_1-.Ltmp1, $4  }
0x25: {  	[hbm4b:s12+s3] =	stream.linear.scatter [tilespmem:s9], [sflag:$0x2], $0x4000, $0x38;
	[tilespmem:$0x5400] =	vst v63  }
0x26: {  	_ =	swait.ge [sflag:s7], $0x4000  }
0x27: {  	[sflag:s7] =	ssyncset.done $0x0  }
0x28: {  	[sflag:s7] =	ssyncadd.s32 $0xFFFFC000  }
0x29: {  	_ =	sfence.sel $0x180000  }
0x2a: {  	[bflag:$0x0] =	sbarrier.arrive $0xFFFF  }
0x2b: {  	p0 =	sne.s32 s2, $0x0;
	_ =	strace $0x9000004A  }
0x2c: {  	s0 =	sadd.s32 @!p0 $0x100000, s0;
	[bflag:$0x2] =	sbarrier.arrive $0xFFFF  }
0x2d: {  	[sflag:s0] =	ssyncadd.tile.s32 @!p0 $0x1;
	_ =	shalt  }
.Lfunc_end2:
_tile_overlayer_lowered:
.L_overlay_start_2:
0x2e: {  	(tag) =	ssettag $0x2  }
0x2f: {  	s0 =	rddreg [dreg:$0x0];
	s2 =	stileid.u32  }
0x30: {  	s1 =	rddreg [dreg:$0x1];
	p0 =	sne.s32 s2, $0x0  }
0x31: {  	s3 =	rddreg [dreg:$0x2];
	[bflag:$0x3] =	sbarrier.arrive $0xFFFF;
	s2 =	simm.s32 @!p0 $0x1C02  }
0x32: {  	[timem:s3], [sflag:s2] =	dma.local @!p0 [hbm:s0], s1  }
0x33: {  	s0 =	simm.s32 @!p0 $0x2  }
0x34: {  	_ =	swait.ge @!p0 [sflag:s0], s1  }
0x35: {  	s1 =	ssub.s32 @!p0 $0x0, s1;
	[sflag:s0] =	ssyncset.done @!p0 $0x0  }
0x36: {  	[sflag:s0] =	ssyncadd.s32 @!p0 s1  }
0x37: {  	[bflag:$0x3] =	sbarrier.arrive $0xFFFF  }
0x38: {  	_ =	shalt  }

// kernel: sc_edge_gather.3.cloned.1.call-start
scs
__scs_entry_jumppad:
0x0: {  	(pc) =	sbr.rel $0x88, $3  }
0x1: {  	(tag) =	ssettag $0x0;
	lr =	simm.s32 $0x1  }
0x2: {  	[smem:$0x3F92] =	sst lr;
	_ =	strace $0xD0000000  }
0x3: {  	_ = 	snop  }
0x4: {  	_ = 	snop  }
0x5: {  	_ = 	snop  }
0x6: {  	_ = 	snop  }
0x7: {  	_ = 	snop  }
__scs_overlays_trampoline_lowered:
0x8: {  	[smem:$0x3FA1] =	sst s0  }
0x9: {  	[smem:$0x3FA2] =	sst s1  }
0xa: {  	[smem:$0x3FA3] =	sst s2  }
0xb: {  	[smem:$0x3FA4] =	sst s3  }
0xc: {  	[smem:$0x3FA5] =	sst s4  }
0xd: {  	[smem:$0x3FA6] =	sst s5  }
0xe: {  	[smem:$0x3FA7] =	sst s6  }
0xf: {  	[smem:$0x3FA8] =	sst s7  }
0x10: {  	[smem:$0x3FA9] =	sst s8  }
0x11: {  	[smem:$0x3FAA] =	sst s9;
	s0 =	simm.s32 @!p0 $0x0  }
0x12: {  	s1 =	sld [smem:$0x3F90];
	s0 =	simm.s32 @p0 $0x1  }
0x13: {  	[smem:$0x3FAB] =	sst s0;
	s0 =	simm.s32 @!p1 $0x0  }
0x14: {  	s2 =	sld [smem:$0x3F8F];
	s0 =	simm.s32 @p1 $0x1  }
0x15: {  	[smem:$0x3FAC] =	sst s0;
	s0 =	simm.s32 @!p2 $0x0  }
0x16: {  	s3 =	sld [smem:$0x3FDB];
	s0 =	simm.s32 @p2 $0x1  }
0x17: {  	s4 =	simm.s32 $0x1BF5;
	[smem:$0x3FAE] =	sst s0  }
0x18: {  	s0 =	sld [smem:$0x3F91];
	_ =	swait.ge [sflag:s4], $0x0  }
0x19: {  	s7 =	sld [smem:$0x3F92]  }
0x1a: {  	s8 =	sadd.s32 $0xFFFFE003, lr  }
0x1b: {  	s9 =	sadd.s32 $0xFFFFFEF7, lr;
	s5 =	simm.s32 $0xFFFFFFFF;
	p2 =	slt.u32 s8, $0xFFFFF086  }
0x1c: {  	p1 =	slt.u32 s9, $0xF7A;
	s5 =	simm.s32 @!p2 $0x0  }
0x1d: {  	s5 =	simm.s32 @p1 $0x1;
	p0 =	seq.s32 s7, s2  }
0x1e: {  	s7 =	smul.u32 @!p0 $0xF7A, s2;
	p2 =	seq.s32 @!p0 s5, $0x0  }
0x1f: {  	s9 =	smul.u32 $0xF7A, s1;
	s8 =	simm.s32 @!p0 $0x1BF5;
	p2 =	por !p2, p0  }
0x20: {  	[sflag:s8] =	ssyncset.s32 @!p0 $0xFFFFF086;
	s6 =	sadd.s32 @!p0 s3, s7;
	s7 =	simm.s32 @!p0 $0x108  }
0x21: {  	s3 =	sadd.s32 s3, s9;
	s6 =	sadd.s32 @!p0 $0x88, s6;
	s7 =	simm.s32 @p2 $0x1082  }
0x22: {  	[simem:s7], [sflag:s8] =	dma.local @!p0 [hbm:s6], $0xF7A  }
0x23: {  	s9 =	sor.u32 $0xD0000000, s2;
	s6 =	simm.s32 $0x108;
	_ =	swait.ge @!p0 [sflag:s8], $0x0  }
0x24: {  	s3 =	sadd.s32 $0x88, s3;
	s6 =	simm.s32 @!p1 $0x1082;
	[sflag:s4] =	ssyncset.s32 $0xFFFFF086  }
0x25: {  	[simem:s6], [sflag:s4] =	dma.local [hbm:s3], $0xF7A  }
0x26: {  	[smem:$0x3F92] =	sst s1;
	(tag) =	ssettag s2;
	_ =	strace s9  }
0x27: {  	s1 =	sld [smem:$0x3FA2]  }
0x28: {  	s2 =	sld [smem:$0x3FA3]  }
0x29: {  	s4 =	sld [smem:$0x3FA5]  }
0x2a: {  	p0 =	seq.s32 s5, $0x0;
	s5 =	sld [smem:$0x3FA6]  }
0x2b: {  	s6 =	sld [smem:$0x3FA7]  }
0x2c: {  	s7 =	sld [smem:$0x3FA8]  }
0x2d: {  	s3 =	simm.s32 $0x108;
	s8 =	sld [smem:$0x3FA9]  }
0x2e: {  	s3 =	simm.s32 @!p0 $0x1082;
	s9 =	sld [smem:$0x3FAA]  }
0x2f: {  	lr =	sadd.s32 s0, s3;
	s0 =	sld [smem:$0x3FA1]  }
0x30: {  	s3 =	sld [smem:$0x3FA4]  }
0x31: {  	[smem:$0x3FAD] =	sst s10  }
0x32: {  	s10 =	sld [smem:$0x3FAB];
	_ =	sdelay $0x3  }
0x33: {  	p0 =	seq.s32 s10, $0x1;
	s10 =	sld [smem:$0x3FAD];
	_ =	sdelay $0x3  }
0x34: {  	[smem:$0x3FAD] =	sst s10  }
0x35: {  	s10 =	sld [smem:$0x3FAC];
	_ =	sdelay $0x3  }
0x36: {  	p1 =	seq.s32 s10, $0x1;
	s10 =	sld [smem:$0x3FAD];
	_ =	sdelay $0x3  }
0x37: {  	[smem:$0x3FAD] =	sst s10  }
0x38: {  	s10 =	sld [smem:$0x3FAE]  }
0x39: {  	_ = 	snop;
	(pc) =	sbr.ind lr, $3  }
0x3a: {  	_ = 	snop  }
0x3b: {  	_ = 	snop  }
0x3c: {  	p2 =	seq.s32 s10, $0x1;
	s10 =	sld [smem:$0x3FAD]  }
0x3d: {  	_ =	shalt  }
0x3e: {  	_ =	shalt  }
0x3f: {  	_ =	shalt  }
0x40: {  	_ =	shalt  }
0x41: {  	_ =	shalt  }
0x42: {  	_ =	shalt  }
0x43: {  	_ =	shalt  }
0x44: {  	_ =	shalt  }
0x45: {  	_ =	shalt  }
0x46: {  	_ =	shalt  }
0x47: {  	_ =	shalt  }
0x48: {  	_ =	shalt  }
0x49: {  	_ =	shalt  }
0x4a: {  	_ =	shalt  }
0x4b: {  	_ =	shalt  }
0x4c: {  	_ =	shalt  }
0x4d: {  	_ =	shalt  }
0x4e: {  	_ =	shalt  }
0x4f: {  	_ =	shalt  }
0x50: {  	_ =	shalt  }
0x51: {  	_ =	shalt  }
0x52: {  	_ =	shalt  }
0x53: {  	_ =	shalt  }
0x54: {  	_ =	shalt  }
0x55: {  	_ =	shalt  }
0x56: {  	_ =	shalt  }
0x57: {  	_ =	shalt  }
0x58: {  	_ =	shalt  }
0x59: {  	_ =	shalt  }
0x5a: {  	_ =	shalt  }
0x5b: {  	_ =	shalt  }
0x5c: {  	_ =	shalt  }
0x5d: {  	_ =	shalt  }
0x5e: {  	_ =	shalt  }
0x5f: {  	_ =	shalt  }
0x60: {  	_ =	shalt  }
0x61: {  	_ =	shalt  }
0x62: {  	_ =	shalt  }
0x63: {  	_ =	shalt  }
0x64: {  	_ =	shalt  }
0x65: {  	_ =	shalt  }
0x66: {  	_ =	shalt  }
0x67: {  	_ =	shalt  }
0x68: {  	_ =	shalt  }
0x69: {  	_ =	shalt  }
0x6a: {  	_ =	shalt  }
0x6b: {  	_ =	shalt  }
0x6c: {  	_ =	shalt  }
0x6d: {  	_ =	shalt  }
0x6e: {  	_ =	shalt  }
0x6f: {  	_ =	shalt  }
0x70: {  	_ =	shalt  }
0x71: {  	_ =	shalt  }
0x72: {  	_ =	shalt  }
0x73: {  	_ =	shalt  }
0x74: {  	_ =	shalt  }
0x75: {  	_ =	shalt  }
0x76: {  	_ =	shalt  }
0x77: {  	_ =	shalt  }
0x78: {  	_ =	shalt  }
0x79: {  	_ =	shalt  }
0x7a: {  	_ =	shalt  }
0x7b: {  	_ =	shalt  }
0x7c: {  	_ =	shalt  }
0x7d: {  	_ =	shalt  }
0x7e: {  	_ =	shalt  }
0x7f: {  	_ =	shalt  }
0x80: {  	_ =	shalt  }
0x81: {  	_ =	shalt  }
0x82: {  	_ =	shalt  }
0x83: {  	_ =	shalt  }
0x84: {  	_ =	shalt  }
0x85: {  	_ =	shalt  }
0x86: {  	_ =	shalt  }
0x87: {  	_ =	shalt  }
.Lfunc_end0:
.L_simem_size_0:
called_computation_lowered:
.L_overlay_start_0:
0x88: {  	s2 =	sld [smem:$0x3FD9]  }
0x89: {  	s3 =	sld [smem:$0x3FFE];
	_ =	sdelay $0x1  }
0x8a: {  	s1 =	srdreg.scid  }
0x8b: {  	s0 =	sand.u32 $0x1, s1  }
0x8c: {  	s14 =	sshll.u32 s0, $0xA;
	s2 =	sadd.s32 s3, s2  }
0x8d: {  	s2 =	sadd.s32 s2, s14  }
0x8e: {  	[smem:$0x3FB9] =	sst s2  }
0x8f: {  	_ = 	snop  }
0x90: {  	s2 =	sld [smem:$0x3FD0];
	_ =	sdelay $0x2  }
0x91: {  	s15 =	simm.s32 $0xA;
	s4 =	simm.s32 $0x10  }
0x92: {  	[smem:s4], [sflag:s15] =	dma.local [hbm:s2], $0x1  }
0x93: {  	_ =	swait.eq [sflag:s15], $0x1  }
0x94: {  	[sflag:s15] =	ssyncset.done $0x0  }
0x95: {  	s16 =	sld [smem:$0x10];
	[sflag:s15] =	ssyncadd.s32 $0xFFFFFFFF  }
0x96: {  	s17 =	sld [smem:$0x11];
	(tm) =	ssettm $0x1  }
0x97: {  	s18 =	sld [smem:$0x3FFB];
	_ =	sdelay $0x3  }
0x98: {  	_ =	strace s18  }
0x99: {  	s4 =	sld [smem:$0x3FFC];
	_ =	sdelay $0x3  }
0x9a: {  	_ =	strace s4  }
0x9b: {  	s4 =	sld [smem:$0x3FFD];
	_ =	sdelay $0x3  }
0x9c: {  	_ =	strace s4  }
0x9d: {  	_ =	strace $0x8FFFFFFF  }
0x9e: {  	s19 =	sld [smem:$0x3FDB];
	_ =	sdelay $0x1  }
0x9f: {  	s5 =	simm.s32 $_scs_section_size  }
0xa0: {  	s6 =	simm.s32 $_size__tile_overlayer_lowered;
	s7 =	simm.s32 $_tile_overlayer_lowered  }
0xa1: {  	s22 =	simm.s32 $0x1BFF;
	s21 =	sshll.u32 s7, $0x1;
	s4 =	sadd.s32 s5, s19  }
0xa2: {  	s8 =	simm.s32 $0x0;
	s20 =	sshll.u32 s6, $0x1;
	s6 =	sadd.s32 s21, s4  }
0xa3: {  	[timem:s8], [sflag:s22] =	dma.local [hbm:s6], s20  }
0xa4: {  	_ =	swait.ge [sflag:s22], s20  }
0xa5: {  	s5 =	ssub.s32 $0x0, s20;
	[sflag:s22] =	ssyncset.done $0x0  }
0xa6: {  	[sflag:s22] =	ssyncadd.s32 s5;
	_ =	sdelay $0x1  }
0xa7: {  	s23 =	simm.s32 $0x1B8B  }
0xa8: {  	_ =	swait.ge [sflag:s23], $0x1  }
0xa9: {  	[sflag:s23] =	ssyncset.done $0x0  }
0xaa: {  	s25 =	simm.s32 $0x1B8E;
	s24 =	sld [smem:$0x3FFE];
	[sflag:s23] =	ssyncadd.s32 $0xFFFFFFFF  }
0xab: {  	s26 =	simm.s32 $execute0_lowered;
	[smem:$0x3FD2] =	sst s25  }
0xac: {  	s6 =	sshll.u32 s26, $0x1;
	_ =	strace $0x80000046;
	[dreg:$0x1] =	wrdreg $0xFFFFFFFF  }
0xad: {  	s28 =	simm.s32 $_size_execute0_lowered;
	s4 =	sadd.s32 s4, s6;
	[dreg:$0x0] =	wrdreg $0x0  }
0xae: {  	s6 =	sshll.u32 s28, $0x1;
	[dreg:$0x2] =	wrdreg s4  }
0xaf: {  	[dreg:$0x3] =	wrdreg s6  }
0xb0: {  	[dreg:$0x4] =	wrdreg $0xC0  }
0xb1: {  	_ =	task [dreg:s8], $0x5FFFF  }
0xb2: {  	[dreg:$0x1] =	wrdreg $0xFFFFFFFF  }
0xb3: {  	[dreg:$0x0] =	wrdreg $0x60  }
0xb4: {  	[dreg:$0x2] =	wrdreg s24  }
0xb5: {  	[dreg:$0x3] =	wrdreg s17  }
0xb6: {  	[dreg:$0x4] =	wrdreg s16  }
0xb7: {  	[dreg:$0x5] =	wrdreg $0x9  }
0xb8: {  	_ =	task.clear_ibuf [dreg:s8], $0x6FFFF;
	_ =	strace $0x90000046  }
0xb9: {  	s29 =	simm.s32 $0x9;
	_ =	strace $0x80000048  }
0xba: {  	_ =	swait.ge [sflag:s29], $0x1  }
0xbb: {  	[sflag:s29] =	ssyncadd.s32 $0xFFFFFFFF  }
0xbc: {  	_ =	strace $0x90000048  }
0xbd: {  	_ =	sfence  }
0xbe: {  	s30 =	sld [smem:$0x0];
	_ =	sdelay $0x2  }
0xbf: {  	s31 =	sshll.u32 s1, $0xD;
	s1 =	sshrl.u32 s1, $0x2  }
0xc0: {  	s3 =	sand.u32 $0x4000, s31;
	s1 =	sadd.s32 s1, s30  }
0xc1: {  	s0 =	sor.u32 s3, s0;
	s1 =	sshll.u32 s1, $0x11  }
0xc2: {  	s0 =	sor.u32 s1, s0  }
0xc3: {  	s0 =	sadd.s32 $0x8F2B, s0  }
0xc4: {  	[sflag:s0] =	ssyncadd.remote.s32 $0x1  }
0xc5: {  	_ =	sfence.sel $0xFFFF  }
0xc6: {  	[dreg:$0x0] =	wrdreg $0xFFFFFFFF;
	(pc) =	sbr.abs _section_cstart, $3  }
0xc7: {  	[dreg:$0x1] =	wrdreg $0xFFFFFFFF  }
0xc8: {  	_ =	task.clear_ibuf [dreg:s8], $0x2FFFF;
	_ =	strace $0x9FFFFFFF  }
0xc9: {  	(tm) =	ssettm $0x7FFFFFFF  }
tec
execute0_lowered:
.L_overlay_start_1:
0x0: {  	(tag) =	ssettag $0x1  }
0x1: {  	s0 =	srdreg.scid;
	s10 =	stileid.u32  }
0x2: {  	s6 =	sand.u32 $0x1, s0;
	s2 =	smul.u32 $0x1400, s10  }
0x3: {  	s1 =	smul.u32 $0x14000, s6;
	_ =	sdelay $0x1  }
0x4: {  	s5 =	rddreg [dreg:$0x1];
	s1 =	sadd.s32 s2, s1  }
0x5: {  	s0 =	rddreg [dreg:$0x0];
	s2 =	sshrl.u32 s1, $0x3  }
0x6: {  	s1 =	rddreg [dreg:$0x2];
	s3 =	smul.u32 $0x180, s2;
	s2 =	simm.s32 $0x0  }
0x7: {  	s22 =	simm.s32 $0x3000;
	[smem:$0x7FF] =	sst s2  }
0x8: {  	s23 =	simm.s32 $0x3400;
	_ =	strace $0x80000047;
	[dreg:$0x6] =	wrdreg s22  }
0x9: {  	s24 =	simm.s32 $0x3C00;
	[dreg:$0x7] =	wrdreg s23  }
0xa: {  	s25 =	simm.s32 $0x4000;
	[dreg:$0x8] =	wrdreg s24  }
0xb: {  	s26 =	simm.s32 $0x4800;
	[dreg:$0x9] =	wrdreg s25  }
0xc: {  	s31 =	simm.s32 $0x4C00;
	[dreg:$0xa] =	wrdreg s26  }
0xd: {  	s7 =	simm.s32 $0x5800;
	[dreg:$0xb] =	wrdreg s31  }
0xe: {  	s8 =	simm.s32 $0x6000;
	[dreg:$0xd] =	wrdreg s7  }
0xf: {  	s9 =	simm.s32 $0x6400;
	[dreg:$0xe] =	wrdreg s8  }
0x10: {  	s11 =	simm.s32 $0x6C00;
	[dreg:$0xf] =	wrdreg s9  }
0x11: {  	s12 =	simm.s32 $0x7000;
	[dreg:$0x10] =	wrdreg s11  }
0x12: {  	s13 =	simm.s32 $0x7800;
	[dreg:$0x11] =	wrdreg s12  }
0x13: {  	s14 =	simm.s32 $0x7C00;
	[dreg:$0x12] =	wrdreg s13  }
0x14: {  	s15 =	simm.s32 $0x8400;
	[dreg:$0x13] =	wrdreg s14  }
0x15: {  	s16 =	simm.s32 $0x8800;
	[dreg:$0x14] =	wrdreg s15  }
0x16: {  	s17 =	simm.s32 $0x9000;
	[dreg:$0x15] =	wrdreg s16  }
0x17: {  	s18 =	simm.s32 $0x9400;
	[dreg:$0x16] =	wrdreg s17  }
0x18: {  	s19 =	simm.s32 $0x9C00;
	[dreg:$0x17] =	wrdreg s18  }
0x19: {  	s20 =	simm.s32 $0xA000;
	[dreg:$0x18] =	wrdreg s19  }
0x1a: {  	s21 =	simm.s32 $0xA800;
	[dreg:$0x19] =	wrdreg s20  }
0x1b: {  	[dreg:$0x1a] =	wrdreg s21;
	s22 =	simm.s32 $0xAC00  }
0x1c: {  	s23 =	simm.s32 $0xB400;
	[dreg:$0x1b] =	wrdreg s22  }
0x1d: {  	s24 =	simm.s32 $0xB800;
	[dreg:$0x1c] =	wrdreg s23  }
0x1e: {  	s25 =	simm.s32 $0xC000;
	[dreg:$0x1d] =	wrdreg s24  }
0x1f: {  	s26 =	simm.s32 $0xC400;
	[dreg:$0x1e] =	wrdreg s25  }
0x20: {  	s31 =	simm.s32 $0xCC00;
	[dreg:$0x1f] =	wrdreg s26  }
0x21: {  	s7 =	simm.s32 $0xD800;
	[smem:$0x7E6] =	sst s31  }
0x22: {  	s8 =	simm.s32 $0xDC00;
	[smem:$0x7E8] =	sst s7  }
0x23: {  	s9 =	simm.s32 $0xE400;
	[smem:$0x7E9] =	sst s8  }
0x24: {  	s11 =	simm.s32 $0xF000;
	[smem:$0x7EA] =	sst s9  }
0x25: {  	s12 =	simm.s32 $0xFC00;
	[smem:$0x7EB] =	sst s11  }
0x26: {  	s13 =	simm.s32 $0x10000;
	[smem:$0x7ED] =	sst s12  }
0x27: {  	s14 =	simm.s32 $0x10800;
	[smem:$0x7EE] =	sst s13  }
0x28: {  	s28 =	simm.s32 $0x1;
	s15 =	simm.s32 $0x10C00;
	[smem:$0x7EF] =	sst s14  }
0x29: {  	s29 =	simm.s32 $0x2;
	s16 =	simm.s32 $0x11400;
	[smem:$0x7F0] =	sst s15  }
0x2a: {  	s30 =	simm.s32 $0x0;
	s17 =	simm.s32 $0x11800;
	[smem:$0x7F1] =	sst s16  }
0x2b: {  	s3 =	sadd.s32 s3, s0;
	s18 =	simm.s32 $0x12000;
	[smem:$0x7F2] =	sst s17  }
0x2c: {  	s19 =	simm.s32 $0x12400;
	s20 =	simm.s32 $0x12C00;
	[smem:$0x7F3] =	sst s18  }
0x2d: {  	s21 =	simm.s32 $0x13000;
	s4 =	sadd.s32 $0xF0200, s3;
	[smem:$0x7F5] =	sst s19  }
0x2e: {  	s3 =	sadd.s32 $0x870200, s3;
	s7 =	simm.s32 $0xF400;
	[smem:$0x7F6] =	sst s20  }
0x2f: {  	s8 =	ssub.s32 $0x2, s6;
	s6 =	sshll.u32 s6, $0x4;
	[smem:$0x7F7] =	sst s21  }
0x30: {  	s22 =	simm.s32 $0x13800;
	s23 =	simm.s32 $0x13C00;
	s24 =	simm.s32 $0x14400  }
0x31: {  	s25 =	simm.s32 $0x14800;
	s26 =	simm.s32 $0x15000;
	s12 =	simm.s32 $0x2800  }
0x32: {  	s31 =	simm.s32 $0x15400;
	s13 =	simm.s32 $0xE800;
	[dreg:$0x4] =	wrdreg s4  }
0x33: {  	s14 =	simm.s32 $0x15C00;
	s15 =	simm.s32 $0x16000;
	[dreg:$0x5] =	wrdreg s3  }
0x34: {  	s16 =	simm.s32 $0x16800;
	s17 =	simm.s32 $0x16C00;
	[smem:$0x7EC] =	sst s7  }
0x35: {  	s18 =	simm.s32 $0x17400;
	s19 =	simm.s32 $0x17800;
	[smem:$0x7F8] =	sst s22  }
0x36: {  	s20 =	simm.s32 $0x18000;
	s21 =	simm.s32 $0x18400;
	[smem:$0x7F9] =	sst s23  }
0x37: {  	s4 =	simm.s32 $0x5400;
	s3 =	sadd.s32 $0x2E00, s0;
	[smem:$0x7FA] =	sst s24  }
0x38: {  	s9 =	sshrl.u32 s8, $0x1;
	s6 =	sor.u32 s10, s6;
	[smem:$0x7FB] =	sst s25  }
0x39: {  	s7 =	sadd.s32 $0x2F00, s0;
	s10 =	simm.s32 $0x3;
	[smem:$0x7FC] =	sst s26  }
0x3a: {  	[smem:$0x7FD] =	sst s31;
	s22 =	simm.s32 $0x18C00;
	s23 =	simm.s32 $0x19000  }
0x3b: {  	s24 =	simm.s32 $0x19800;
	s25 =	simm.s32 $0x19C00;
	s6 =	smul.u32 $0x1400, s6  }
0x3c: {  	s26 =	simm.s32 $0x1A400;
	[dreg:$0xc] =	wrdreg s4;
	s4 =	simm.s32 $0xD000  }
0x3d: {  	v2 =	vlaneseq.u32;
	s9 =	ssub.s32 s8, s9;
	s8 =	sadd.s32 $0x78300, s0;
	s6 =	sshrl.u32 s6, $0x3  }
0x3e: {  	vm0 =	vmmov $0xffff;
	vm1 =	vmmov $0xff;
	v1 =	vshrl.u32 v2, $0x3;
	[smem:$0x7E7] =	sst s4;
	s4 =	sadd.s32 $0x78200, s0;
	s5 =	sadd.s32 s5, s6  }
0x3f: {  	v0 =	vand.u32 $0x7, v2;
	v2 =	vor.u32 $0x8, v2;
	v1 =	vmul.u32 $0x8, v1;
	s9 =	smax.u32 s9, $0x1;
	s6 =	sadd.s32 s1, s6;
	[smem:$0x7F4] =	sst s5  }
.LBB2_1:
0x40: {  	s0 =	sld [smem:$0x7F4];
	_ =	sdelay $0x2  }
0x41: {  	[tilespmem:s2], [sflag:$0x3] =	stream.linear.gather [hbm4b:s0+s2], $0x1400, $0x38;
	[tilespmem:$0x1A800] =	vst v63  }
0x42: {  	_ =	swait.ge [sflag:s10], $0x1400  }
0x43: {  	[sflag:s10] =	ssyncset.done $0x0  }
0x44: {  	s11 =	simm.s32 $0x1400;
	[sflag:s10] =	ssyncadd.s32 $0xFFFFEC00  }
0x45: {  	[tilespmem:s11], [sflag:$0x3] =	stream.linear.gather [hbm4b:s6+s2], $0x1400, $0x38;
	[tilespmem:$0x1A800] =	vst v63  }
0x46: {  	_ =	swait.ge [sflag:s10], $0x1400  }
0x47: {  	s31 =	simm.s32 $0x1440;
	[sflag:s10] =	ssyncset.done $0x0  }
0x48: {  	s1 =	simm.s32 $0x40;
	s0 =	simm.s32 $0x0;
	[sflag:s10] =	ssyncadd.s32 $0xFFFFEC00  }
.LBB2_2:
0x49: {  	v3 =	vld [tilespmem:s1+$0xFFFFFFC0];
	_ =	sdelay $0x4  }
0x4a: {  	v4 =	vshrl.u32 v3, $0x3  }
0x4b: {  	v4 =	vmul.u32 $0x18, v4  }
0x4c: {  	v3 =	vand.u32 $0x7, v3  }
0x4d: {  	v3 =	vor.u32 v3, v4  }
0x4e: {  	v4 =	vperm.xlane v3, v0;
	_ =	sdelay $0x1  }
0x4f: {  	v4 =	vadd.s32 v1, v4;
	_ =	sdelay $0x1  }
0x50: {  	v3 =	vperm.xlane v3, v2;
	_ =	sdelay $0x1  }
0x51: {  	v3 =	vadd.s32 v1, v3  }
0x52: {  	[tilespmem:s12], [sflag:$0x1] =	stream.indirect_vreg.gather [hbm4b:s3+s2], $0x80, v4, vm0, $0xb8;
	[tilespmem:$0x1A800] =	vst v63  }
0x53: {  	s11 =	rddreg [dreg:$0x6]  }
0x54: {  	[tilespmem:s11], [sflag:$0x1] =	stream.indirect_vreg.gather [hbm4b:s7+s2], $0x80, v4, vm1, $0xb8;
	[tilespmem:$0x1A800] =	vst v63  }
0x55: {  	s5 =	rddreg [dreg:$0x7]  }
0x56: {  	[tilespmem:s5], [sflag:$0x1] =	stream.indirect_vreg.gather [hbm4b:s3+s2], $0x80, v3, vm0, $0xb8;
	[tilespmem:$0x1A800] =	vst v63  }
0x57: {  	s11 =	rddreg [dreg:$0x8]  }
0x58: {  	[tilespmem:s11], [sflag:$0x1] =	stream.indirect_vreg.gather [hbm4b:s7+s2], $0x80, v3, vm1, $0xb8;
	[tilespmem:$0x1A800] =	vst v63  }
0x59: {  	v3 =	vld [tilespmem:s1+$0xFFFFFFD0];
	_ =	sdelay $0x4  }
0x5a: {  	v49 =	vshrl.u32 v3, $0x3  }
0x5b: {  	v4 =	vmul.u32 $0x18, v49  }
0x5c: {  	v3 =	vand.u32 $0x7, v3  }
0x5d: {  	v3 =	vor.u32 v3, v4  }
0x5e: {  	v4 =	vperm.xlane v3, v0;
	_ =	sdelay $0x1  }
0x5f: {  	v4 =	vadd.s32 v1, v4;
	_ =	sdelay $0x1  }
0x60: {  	v3 =	vperm.xlane v3, v2;
	_ =	sdelay $0x1  }
0x61: {  	s5 =	rddreg [dreg:$0x9];
	v3 =	vadd.s32 v1, v3  }
0x62: {  	[tilespmem:s5], [sflag:$0x1] =	stream.indirect_vreg.gather [hbm4b:s3+s2], $0x80, v4, vm0, $0xb8;
	[tilespmem:$0x1A800] =	vst v63  }
0x63: {  	s11 =	rddreg [dreg:$0xa]  }
0x64: {  	[tilespmem:s11], [sflag:$0x1] =	stream.indirect_vreg.gather [hbm4b:s7+s2], $0x80, v4, vm1, $0xb8;
	[tilespmem:$0x1A800] =	vst v63  }
0x65: {  	s5 =	rddreg [dreg:$0xb]  }
0x66: {  	[tilespmem:s5], [sflag:$0x1] =	stream.indirect_vreg.gather [hbm4b:s3+s2], $0x80, v3, vm0, $0xb8;
	[tilespmem:$0x1A800] =	vst v63  }
0x67: {  	s11 =	rddreg [dreg:$0xc]  }
0x68: {  	[tilespmem:s11], [sflag:$0x1] =	stream.indirect_vreg.gather [hbm4b:s7+s2], $0x80, v3, vm1, $0xb8;
	[tilespmem:$0x1A800] =	vst v63  }
0x69: {  	v3 =	vld [tilespmem:s1+$0xFFFFFFE0];
	_ =	sdelay $0x4  }
0x6a: {  	v50 =	vshrl.u32 v3, $0x3  }
0x6b: {  	v4 =	vmul.u32 $0x18, v50  }
0x6c: {  	v3 =	vand.u32 $0x7, v3  }
0x6d: {  	v3 =	vor.u32 v3, v4  }
0x6e: {  	v4 =	vperm.xlane v3, v0;
	_ =	sdelay $0x1  }
0x6f: {  	v4 =	vadd.s32 v1, v4;
	_ =	sdelay $0x1  }
0x70: {  	v3 =	vperm.xlane v3, v2;
	_ =	sdelay $0x1  }
0x71: {  	s5 =	rddreg [dreg:$0xd];
	v3 =	vadd.s32 v1, v3  }
0x72: {  	[tilespmem:s5], [sflag:$0x1] =	stream.indirect_vreg.gather [hbm4b:s3+s2], $0x80, v4, vm0, $0xb8;
	[tilespmem:$0x1A800] =	vst v63  }
0x73: {  	s11 =	rddreg [dreg:$0xe]  }
0x74: {  	[tilespmem:s11], [sflag:$0x1] =	stream.indirect_vreg.gather [hbm4b:s7+s2], $0x80, v4, vm1, $0xb8;
	[tilespmem:$0x1A800] =	vst v63  }
0x75: {  	s5 =	rddreg [dreg:$0xf]  }
0x76: {  	[tilespmem:s5], [sflag:$0x1] =	stream.indirect_vreg.gather [hbm4b:s3+s2], $0x80, v3, vm0, $0xb8;
	[tilespmem:$0x1A800] =	vst v63  }
0x77: {  	s11 =	rddreg [dreg:$0x10]  }
0x78: {  	[tilespmem:s11], [sflag:$0x1] =	stream.indirect_vreg.gather [hbm4b:s7+s2], $0x80, v3, vm1, $0xb8;
	[tilespmem:$0x1A800] =	vst v63  }
0x79: {  	v3 =	vld [tilespmem:s1+$0xFFFFFFF0];
	_ =	sdelay $0x4  }
0x7a: {  	v51 =	vshrl.u32 v3, $0x3  }
0x7b: {  	v4 =	vmul.u32 $0x18, v51  }
0x7c: {  	v3 =	vand.u32 $0x7, v3  }
0x7d: {  	v3 =	vor.u32 v3, v4  }
0x7e: {  	v4 =	vperm.xlane v3, v0;
	_ =	sdelay $0x1  }
0x7f: {  	v4 =	vadd.s32 v1, v4;
	_ =	sdelay $0x1  }
0x80: {  	v3 =	vperm.xlane v3, v2;
	_ =	sdelay $0x1  }
0x81: {  	s5 =	rddreg [dreg:$0x11];
	v3 =	vadd.s32 v1, v3  }
0x82: {  	[tilespmem:s5], [sflag:$0x1] =	stream.indirect_vreg.gather [hbm4b:s3+s2], $0x80, v4, vm0, $0xb8;
	[tilespmem:$0x1A800] =	vst v63  }
0x83: {  	s11 =	rddreg [dreg:$0x12]  }
0x84: {  	[tilespmem:s11], [sflag:$0x1] =	stream.indirect_vreg.gather [hbm4b:s7+s2], $0x80, v4, vm1, $0xb8;
	[tilespmem:$0x1A800] =	vst v63  }
0x85: {  	s5 =	rddreg [dreg:$0x13]  }
0x86: {  	[tilespmem:s5], [sflag:$0x1] =	stream.indirect_vreg.gather [hbm4b:s3+s2], $0x80, v3, vm0, $0xb8;
	[tilespmem:$0x1A800] =	vst v63  }
0x87: {  	s11 =	rddreg [dreg:$0x14]  }
0x88: {  	[tilespmem:s11], [sflag:$0x1] =	stream.indirect_vreg.gather [hbm4b:s7+s2], $0x80, v3, vm1, $0xb8;
	[tilespmem:$0x1A800] =	vst v63  }
0x89: {  	v3 =	vld [tilespmem:s1+$0x0];
	_ =	sdelay $0x4  }
0x8a: {  	v52 =	vshrl.u32 v3, $0x3  }
0x8b: {  	v4 =	vmul.u32 $0x18, v52  }
0x8c: {  	v3 =	vand.u32 $0x7, v3  }
0x8d: {  	v3 =	vor.u32 v3, v4  }
0x8e: {  	v4 =	vperm.xlane v3, v0;
	_ =	sdelay $0x1  }
0x8f: {  	v4 =	vadd.s32 v1, v4;
	_ =	sdelay $0x1  }
0x90: {  	v3 =	vperm.xlane v3, v2;
	_ =	sdelay $0x1  }
0x91: {  	s5 =	rddreg [dreg:$0x15];
	v3 =	vadd.s32 v1, v3  }
0x92: {  	[tilespmem:s5], [sflag:$0x1] =	stream.indirect_vreg.gather [hbm4b:s3+s2], $0x80, v4, vm0, $0xb8;
	[tilespmem:$0x1A800] =	vst v63  }
0x93: {  	s11 =	rddreg [dreg:$0x16]  }
0x94: {  	[tilespmem:s11], [sflag:$0x1] =	stream.indirect_vreg.gather [hbm4b:s7+s2], $0x80, v4, vm1, $0xb8;
	[tilespmem:$0x1A800] =	vst v63  }
0x95: {  	s5 =	rddreg [dreg:$0x17]  }
0x96: {  	[tilespmem:s5], [sflag:$0x1] =	stream.indirect_vreg.gather [hbm4b:s3+s2], $0x80, v3, vm0, $0xb8;
	[tilespmem:$0x1A800] =	vst v63  }
0x97: {  	s11 =	rddreg [dreg:$0x18]  }
0x98: {  	[tilespmem:s11], [sflag:$0x1] =	stream.indirect_vreg.gather [hbm4b:s7+s2], $0x80, v3, vm1, $0xb8;
	[tilespmem:$0x1A800] =	vst v63  }
0x99: {  	v3 =	vld [tilespmem:s1+$0x10];
	_ =	sdelay $0x4  }
0x9a: {  	v53 =	vshrl.u32 v3, $0x3  }
0x9b: {  	v4 =	vmul.u32 $0x18, v53  }
0x9c: {  	v3 =	vand.u32 $0x7, v3  }
0x9d: {  	v3 =	vor.u32 v3, v4  }
0x9e: {  	v4 =	vperm.xlane v3, v0;
	_ =	sdelay $0x1  }
0x9f: {  	v4 =	vadd.s32 v1, v4;
	_ =	sdelay $0x1  }
0xa0: {  	v3 =	vperm.xlane v3, v2;
	_ =	sdelay $0x1  }
0xa1: {  	s5 =	rddreg [dreg:$0x19];
	v3 =	vadd.s32 v1, v3  }
0xa2: {  	[tilespmem:s5], [sflag:$0x1] =	stream.indirect_vreg.gather [hbm4b:s3+s2], $0x80, v4, vm0, $0xb8;
	[tilespmem:$0x1A800] =	vst v63  }
0xa3: {  	s11 =	rddreg [dreg:$0x1a]  }
0xa4: {  	[tilespmem:s11], [sflag:$0x1] =	stream.indirect_vreg.gather [hbm4b:s7+s2], $0x80, v4, vm1, $0xb8;
	[tilespmem:$0x1A800] =	vst v63  }
0xa5: {  	s5 =	rddreg [dreg:$0x1b]  }
0xa6: {  	[tilespmem:s5], [sflag:$0x1] =	stream.indirect_vreg.gather [hbm4b:s3+s2], $0x80, v3, vm0, $0xb8;
	[tilespmem:$0x1A800] =	vst v63  }
0xa7: {  	s11 =	rddreg [dreg:$0x1c]  }
0xa8: {  	[tilespmem:s11], [sflag:$0x1] =	stream.indirect_vreg.gather [hbm4b:s7+s2], $0x80, v3, vm1, $0xb8;
	[tilespmem:$0x1A800] =	vst v63  }
0xa9: {  	v3 =	vld [tilespmem:s1+$0x20];
	_ =	sdelay $0x4  }
0xaa: {  	v54 =	vshrl.u32 v3, $0x3  }
0xab: {  	v4 =	vmul.u32 $0x18, v54  }
0xac: {  	v3 =	vand.u32 $0x7, v3  }
0xad: {  	v3 =	vor.u32 v3, v4  }
0xae: {  	v4 =	vperm.xlane v3, v0;
	_ =	sdelay $0x1  }
0xaf: {  	v4 =	vadd.s32 v1, v4;
	_ =	sdelay $0x1  }
0xb0: {  	v3 =	vperm.xlane v3, v2  }
0xb1: {  	s5 =	rddreg [dreg:$0x1d]  }
0xb2: {  	s11 =	rddreg [dreg:$0x1e];
	v3 =	vadd.s32 v1, v3  }
0xb3: {  	[tilespmem:s5], [sflag:$0x1] =	stream.indirect_vreg.gather [hbm4b:s3+s2], $0x80, v4, vm0, $0xb8;
	[tilespmem:$0x1A800] =	vst v63  }
0xb4: {  	s5 =	rddreg [dreg:$0x1f]  }
0xb5: {  	[tilespmem:s11], [sflag:$0x1] =	stream.indirect_vreg.gather [hbm4b:s7+s2], $0x80, v4, vm1, $0xb8;
	[tilespmem:$0x1A800] =	vst v63  }
0xb6: {  	s11 =	sld [smem:$0x7E6]  }
0xb7: {  	[tilespmem:s5], [sflag:$0x1] =	stream.indirect_vreg.gather [hbm4b:s3+s2], $0x80, v3, vm0, $0xb8;
	[tilespmem:$0x1A800] =	vst v63  }
0xb8: {  	_ = 	snop  }
0xb9: {  	[tilespmem:s11], [sflag:$0x1] =	stream.indirect_vreg.gather [hbm4b:s7+s2], $0x80, v3, vm1, $0xb8;
	[tilespmem:$0x1A800] =	vst v63  }
0xba: {  	v3 =	vld [tilespmem:s1+$0x30];
	_ =	sdelay $0x4  }
0xbb: {  	v55 =	vshrl.u32 v3, $0x3  }
0xbc: {  	v4 =	vmul.u32 $0x18, v55  }
0xbd: {  	v3 =	vand.u32 $0x7, v3  }
0xbe: {  	v3 =	vor.u32 v3, v4  }
0xbf: {  	v4 =	vperm.xlane v3, v0;
	_ =	sdelay $0x1  }
0xc0: {  	v4 =	vadd.s32 v1, v4;
	_ =	sdelay $0x1  }
0xc1: {  	s5 =	sld [smem:$0x7E7];
	v3 =	vperm.xlane v3, v2;
	_ =	sdelay $0x1  }
0xc2: {  	s11 =	sld [smem:$0x7E8];
	v3 =	vadd.s32 v1, v3  }
0xc3: {  	[tilespmem:s5], [sflag:$0x1] =	stream.indirect_vreg.gather [hbm4b:s3+s2], $0x80, v4, vm0, $0xb8;
	[tilespmem:$0x1A800] =	vst v63  }
0xc4: {  	s5 =	sld [smem:$0x7E9]  }
0xc5: {  	[tilespmem:s11], [sflag:$0x1] =	stream.indirect_vreg.gather [hbm4b:s7+s2], $0x80, v4, vm1, $0xb8;
	[tilespmem:$0x1A800] =	vst v63  }
0xc6: {  	s11 =	sld [smem:$0x7EA]  }
0xc7: {  	[tilespmem:s5], [sflag:$0x1] =	stream.indirect_vreg.gather [hbm4b:s3+s2], $0x80, v3, vm0, $0xb8;
	[tilespmem:$0x1A800] =	vst v63  }
0xc8: {  	_ = 	snop  }
0xc9: {  	[tilespmem:s11], [sflag:$0x1] =	stream.indirect_vreg.gather [hbm4b:s7+s2], $0x80, v3, vm1, $0xb8;
	[tilespmem:$0x1A800] =	vst v63  }
0xca: {  	v3 =	vld [tilespmem:s31+$0xFFFFFFC0];
	_ =	sdelay $0x4  }
0xcb: {  	v56 =	vshrl.u32 v3, $0x3  }
0xcc: {  	v4 =	vmul.u32 $0x18, v56  }
0xcd: {  	v3 =	vand.u32 $0x7, v3  }
0xce: {  	v3 =	vor.u32 v3, v4  }
0xcf: {  	v4 =	vperm.xlane v3, v0;
	_ =	sdelay $0x1  }
0xd0: {  	v4 =	vadd.s32 v1, v4;
	_ =	sdelay $0x1  }
0xd1: {  	v3 =	vperm.xlane v3, v2;
	_ =	sdelay $0x1  }
0xd2: {  	s5 =	sld [smem:$0x7EB];
	v3 =	vadd.s32 v1, v3  }
0xd3: {  	[tilespmem:s13], [sflag:$0x2] =	stream.indirect_vreg.gather [hbm4b:s4+s2], $0x80, v4, vm0, $0xb8;
	[tilespmem:$0x1A800] =	vst v63  }
0xd4: {  	s11 =	sld [smem:$0x7EC]  }
0xd5: {  	[tilespmem:s5], [sflag:$0x2] =	stream.indirect_vreg.gather [hbm4b:s8+s2], $0x80, v4, vm1, $0xb8;
	[tilespmem:$0x1A800] =	vst v63  }
0xd6: {  	s5 =	sld [smem:$0x7ED]  }
0xd7: {  	[tilespmem:s11], [sflag:$0x2] =	stream.indirect_vreg.gather [hbm4b:s4+s2], $0x80, v3, vm0, $0xb8;
	[tilespmem:$0x1A800] =	vst v63  }
0xd8: {  	_ = 	snop  }
0xd9: {  	[tilespmem:s5], [sflag:$0x2] =	stream.indirect_vreg.gather [hbm4b:s8+s2], $0x80, v3, vm1, $0xb8;
	[tilespmem:$0x1A800] =	vst v63  }
0xda: {  	v3 =	vld [tilespmem:s31+$0xFFFFFFD0];
	_ =	sdelay $0x4  }
0xdb: {  	v57 =	vshrl.u32 v3, $0x3  }
0xdc: {  	v4 =	vmul.u32 $0x18, v57  }
0xdd: {  	v3 =	vand.u32 $0x7, v3  }
0xde: {  	v3 =	vor.u32 v3, v4  }
0xdf: {  	v4 =	vperm.xlane v3, v0;
	_ =	sdelay $0x1  }
0xe0: {  	v4 =	vadd.s32 v1, v4;
	_ =	sdelay $0x1  }
0xe1: {  	s5 =	sld [smem:$0x7EE];
	v3 =	vperm.xlane v3, v2;
	_ =	sdelay $0x1  }
0xe2: {  	s11 =	sld [smem:$0x7EF];
	v3 =	vadd.s32 v1, v3  }
0xe3: {  	[tilespmem:s5], [sflag:$0x2] =	stream.indirect_vreg.gather [hbm4b:s4+s2], $0x80, v4, vm0, $0xb8;
	[tilespmem:$0x1A800] =	vst v63  }
0xe4: {  	s5 =	sld [smem:$0x7F0]  }
0xe5: {  	[tilespmem:s11], [sflag:$0x2] =	stream.indirect_vreg.gather [hbm4b:s8+s2], $0x80, v4, vm1, $0xb8;
	[tilespmem:$0x1A800] =	vst v63  }
0xe6: {  	s11 =	sld [smem:$0x7F1]  }
0xe7: {  	[tilespmem:s5], [sflag:$0x2] =	stream.indirect_vreg.gather [hbm4b:s4+s2], $0x80, v3, vm0, $0xb8;
	[tilespmem:$0x1A800] =	vst v63  }
0xe8: {  	_ = 	snop  }
0xe9: {  	[tilespmem:s11], [sflag:$0x2] =	stream.indirect_vreg.gather [hbm4b:s8+s2], $0x80, v3, vm1, $0xb8;
	[tilespmem:$0x1A800] =	vst v63  }
0xea: {  	v3 =	vld [tilespmem:s31+$0xFFFFFFE0];
	_ =	sdelay $0x4  }
0xeb: {  	v58 =	vshrl.u32 v3, $0x3  }
0xec: {  	v4 =	vmul.u32 $0x18, v58  }
0xed: {  	v3 =	vand.u32 $0x7, v3  }
0xee: {  	v3 =	vor.u32 v3, v4  }
0xef: {  	v4 =	vperm.xlane v3, v0;
	_ =	sdelay $0x1  }
0xf0: {  	v4 =	vadd.s32 v1, v4;
	_ =	sdelay $0x1  }
0xf1: {  	s5 =	sld [smem:$0x7F2];
	v3 =	vperm.xlane v3, v2;
	_ =	sdelay $0x1  }
0xf2: {  	s11 =	sld [smem:$0x7F3];
	v3 =	vadd.s32 v1, v3  }
0xf3: {  	[tilespmem:s5], [sflag:$0x2] =	stream.indirect_vreg.gather [hbm4b:s4+s2], $0x80, v4, vm0, $0xb8;
	[tilespmem:$0x1A800] =	vst v63  }
0xf4: {  	s5 =	sld [smem:$0x7F5]  }
0xf5: {  	[tilespmem:s11], [sflag:$0x2] =	stream.indirect_vreg.gather [hbm4b:s8+s2], $0x80, v4, vm1, $0xb8;
	[tilespmem:$0x1A800] =	vst v63  }
0xf6: {  	s11 =	sld [smem:$0x7F6]  }
0xf7: {  	[tilespmem:s5], [sflag:$0x2] =	stream.indirect_vreg.gather [hbm4b:s4+s2], $0x80, v3, vm0, $0xb8;
	[tilespmem:$0x1A800] =	vst v63  }
0xf8: {  	_ = 	snop  }
0xf9: {  	[tilespmem:s11], [sflag:$0x2] =	stream.indirect_vreg.gather [hbm4b:s8+s2], $0x80, v3, vm1, $0xb8;
	[tilespmem:$0x1A800] =	vst v63  }
0xfa: {  	v3 =	vld [tilespmem:s31+$0xFFFFFFF0];
	_ =	sdelay $0x4  }
0xfb: {  	v59 =	vshrl.u32 v3, $0x3  }
0xfc: {  	v4 =	vmul.u32 $0x18, v59  }
0xfd: {  	v3 =	vand.u32 $0x7, v3  }
0xfe: {  	v3 =	vor.u32 v3, v4  }
0xff: {  	v4 =	vperm.xlane v3, v0;
	_ =	sdelay $0x1  }
0x100: {  	v4 =	vadd.s32 v1, v4;
	_ =	sdelay $0x1  }
0x101: {  	s5 =	sld [smem:$0x7F7];
	v3 =	vperm.xlane v3, v2;
	_ =	sdelay $0x1  }
0x102: {  	s11 =	sld [smem:$0x7F8];
	v3 =	vadd.s32 v1, v3  }
0x103: {  	[tilespmem:s5], [sflag:$0x2] =	stream.indirect_vreg.gather [hbm4b:s4+s2], $0x80, v4, vm0, $0xb8;
	[tilespmem:$0x1A800] =	vst v63  }
0x104: {  	s5 =	sld [smem:$0x7F9]  }
0x105: {  	[tilespmem:s11], [sflag:$0x2] =	stream.indirect_vreg.gather [hbm4b:s8+s2], $0x80, v4, vm1, $0xb8;
	[tilespmem:$0x1A800] =	vst v63  }
0x106: {  	s11 =	sld [smem:$0x7FA]  }
0x107: {  	[tilespmem:s5], [sflag:$0x2] =	stream.indirect_vreg.gather [hbm4b:s4+s2], $0x80, v3, vm0, $0xb8;
	[tilespmem:$0x1A800] =	vst v63  }
0x108: {  	_ = 	snop  }
0x109: {  	[tilespmem:s11], [sflag:$0x2] =	stream.indirect_vreg.gather [hbm4b:s8+s2], $0x80, v3, vm1, $0xb8;
	[tilespmem:$0x1A800] =	vst v63  }
0x10a: {  	v3 =	vld [tilespmem:s31+$0x0];
	_ =	sdelay $0x4  }
0x10b: {  	v60 =	vshrl.u32 v3, $0x3  }
0x10c: {  	v4 =	vmul.u32 $0x18, v60  }
0x10d: {  	v3 =	vand.u32 $0x7, v3  }
0x10e: {  	v3 =	vor.u32 v3, v4  }
0x10f: {  	v4 =	vperm.xlane v3, v0;
	_ =	sdelay $0x1  }
0x110: {  	v4 =	vadd.s32 v1, v4;
	_ =	sdelay $0x1  }
0x111: {  	s5 =	sld [smem:$0x7FB];
	v3 =	vperm.xlane v3, v2;
	_ =	sdelay $0x1  }
0x112: {  	s11 =	sld [smem:$0x7FC];
	v3 =	vadd.s32 v1, v3  }
0x113: {  	[tilespmem:s5], [sflag:$0x2] =	stream.indirect_vreg.gather [hbm4b:s4+s2], $0x80, v4, vm0, $0xb8;
	[tilespmem:$0x1A800] =	vst v63  }
0x114: {  	s5 =	sld [smem:$0x7FD]  }
0x115: {  	[tilespmem:s11], [sflag:$0x2] =	stream.indirect_vreg.gather [hbm4b:s8+s2], $0x80, v4, vm1, $0xb8;
	[tilespmem:$0x1A800] =	vst v63  }
0x116: {  	_ = 	snop  }
0x117: {  	[tilespmem:s5], [sflag:$0x2] =	stream.indirect_vreg.gather [hbm4b:s4+s2], $0x80, v3, vm0, $0xb8;
	[tilespmem:$0x1A800] =	vst v63  }
0x118: {  	_ = 	snop  }
0x119: {  	[tilespmem:s14], [sflag:$0x2] =	stream.indirect_vreg.gather [hbm4b:s8+s2], $0x80, v3, vm1, $0xb8;
	[tilespmem:$0x1A800] =	vst v63  }
0x11a: {  	v3 =	vld [tilespmem:s31+$0x10];
	_ =	sdelay $0x4  }
0x11b: {  	v61 =	vshrl.u32 v3, $0x3  }
0x11c: {  	v4 =	vmul.u32 $0x18, v61  }
0x11d: {  	v3 =	vand.u32 $0x7, v3  }
0x11e: {  	v3 =	vor.u32 v3, v4  }
0x11f: {  	v4 =	vperm.xlane v3, v0;
	_ =	sdelay $0x1  }
0x120: {  	v4 =	vadd.s32 v1, v4;
	_ =	sdelay $0x1  }
0x121: {  	v3 =	vperm.xlane v3, v2;
	_ =	sdelay $0x1  }
0x122: {  	v3 =	vadd.s32 v1, v3  }
0x123: {  	[tilespmem:s15], [sflag:$0x2] =	stream.indirect_vreg.gather [hbm4b:s4+s2], $0x80, v4, vm0, $0xb8;
	[tilespmem:$0x1A800] =	vst v63  }
0x124: {  	_ = 	snop  }
0x125: {  	[tilespmem:s16], [sflag:$0x2] =	stream.indirect_vreg.gather [hbm4b:s8+s2], $0x80, v4, vm1, $0xb8;
	[tilespmem:$0x1A800] =	vst v63  }
0x126: {  	_ = 	snop  }
0x127: {  	[tilespmem:s17], [sflag:$0x2] =	stream.indirect_vreg.gather [hbm4b:s4+s2], $0x80, v3, vm0, $0xb8;
	[tilespmem:$0x1A800] =	vst v63  }
0x128: {  	_ = 	snop  }
0x129: {  	[tilespmem:s18], [sflag:$0x2] =	stream.indirect_vreg.gather [hbm4b:s8+s2], $0x80, v3, vm1, $0xb8;
	[tilespmem:$0x1A800] =	vst v63  }
0x12a: {  	v3 =	vld [tilespmem:s31+$0x20];
	_ =	sdelay $0x4  }
0x12b: {  	v62 =	vshrl.u32 v3, $0x3  }
0x12c: {  	v4 =	vmul.u32 $0x18, v62  }
0x12d: {  	v3 =	vand.u32 $0x7, v3  }
0x12e: {  	v3 =	vor.u32 v3, v4  }
0x12f: {  	v4 =	vperm.xlane v3, v0;
	_ =	sdelay $0x1  }
0x130: {  	v4 =	vadd.s32 v1, v4;
	_ =	sdelay $0x1  }
0x131: {  	v3 =	vperm.xlane v3, v2;
	_ =	sdelay $0x1  }
0x132: {  	v3 =	vadd.s32 v1, v3  }
0x133: {  	[tilespmem:s19], [sflag:$0x2] =	stream.indirect_vreg.gather [hbm4b:s4+s2], $0x80, v4, vm0, $0xb8;
	[tilespmem:$0x1A800] =	vst v63  }
0x134: {  	_ = 	snop  }
0x135: {  	[tilespmem:s20], [sflag:$0x2] =	stream.indirect_vreg.gather [hbm4b:s8+s2], $0x80, v4, vm1, $0xb8;
	[tilespmem:$0x1A800] =	vst v63  }
0x136: {  	_ = 	snop  }
0x137: {  	[tilespmem:s21], [sflag:$0x2] =	stream.indirect_vreg.gather [hbm4b:s4+s2], $0x80, v3, vm0, $0xb8;
	[tilespmem:$0x1A800] =	vst v63  }
0x138: {  	_ = 	snop  }
0x139: {  	[tilespmem:s22], [sflag:$0x2] =	stream.indirect_vreg.gather [hbm4b:s8+s2], $0x80, v3, vm1, $0xb8;
	[tilespmem:$0x1A800] =	vst v63  }
0x13a: {  	v3 =	vld [tilespmem:s31+$0x30];
	_ =	sdelay $0x4  }
0x13b: {  	v63 =	vshrl.u32 v3, $0x3  }
0x13c: {  	v4 =	vmul.u32 $0x18, v63  }
0x13d: {  	v3 =	vand.u32 $0x7, v3  }
0x13e: {  	v3 =	vor.u32 v3, v4  }
0x13f: {  	v4 =	vperm.xlane v3, v0;
	_ =	sdelay $0x1  }
0x140: {  	v4 =	vadd.s32 v1, v4;
	_ =	sdelay $0x1  }
0x141: {  	v3 =	vperm.xlane v3, v2;
	_ =	sdelay $0x1  }
0x142: {  	v3 =	vadd.s32 v1, v3  }
0x143: {  	[tilespmem:s23], [sflag:$0x2] =	stream.indirect_vreg.gather [hbm4b:s4+s2], $0x80, v4, vm0, $0xb8;
	[tilespmem:$0x1A800] =	vst v63  }
0x144: {  	_ = 	snop  }
0x145: {  	[tilespmem:s24], [sflag:$0x2] =	stream.indirect_vreg.gather [hbm4b:s8+s2], $0x80, v4, vm1, $0xb8;
	[tilespmem:$0x1A800] =	vst v63  }
0x146: {  	_ = 	snop  }
0x147: {  	[tilespmem:s25], [sflag:$0x2] =	stream.indirect_vreg.gather [hbm4b:s4+s2], $0x80, v3, vm0, $0xb8;
	[tilespmem:$0x1A800] =	vst v63  }
0x148: {  	_ = 	snop  }
0x149: {  	[tilespmem:s26], [sflag:$0x2] =	stream.indirect_vreg.gather [hbm4b:s8+s2], $0x80, v3, vm1, $0xb8;
	[tilespmem:$0x1A800] =	vst v63  }
0x14a: {  	_ =	swait.ge [sflag:s28], $0xC000  }
0x14b: {  	s11 =	rddreg [dreg:$0x4];
	[sflag:s28] =	ssyncset.done $0x0  }
0x14c: {  	[sflag:s28] =	ssyncadd.s32 $0xFFFF4000;
	s5 =	sadd.s32 s0, s11  }
0x14d: {  	[hbm4b:s5+s2] =	stream.linear.scatter [tilespmem:s12], [sflag:$0x3], $0xC000, $0x38;
	[tilespmem:$0x1A800] =	vst v63  }
0x14e: {  	_ =	swait.ge [sflag:s10], $0xC000  }
0x14f: {  	[sflag:s10] =	ssyncset.done $0x0  }
0x150: {  	[sflag:s10] =	ssyncadd.s32 $0xFFFF4000  }
0x151: {  	_ =	swait.ge [sflag:s29], $0xC000  }
0x152: {  	p0 =	sne.s32 s0, $0x3A800;
	s11 =	rddreg [dreg:$0x5];
	[sflag:s29] =	ssyncset.done $0x0  }
.Ltmp0:
0x153: {  	[sflag:s29] =	ssyncadd.s32 $0xFFFF4000;
	s5 =	sadd.s32 s0, s11;
	(pc) =	sbr.rel @p0 .LBB2_2-.Ltmp0, $4  }
0x154: {  	[hbm4b:s5+s2] =	stream.linear.scatter [tilespmem:s13], [sflag:$0x3], $0xC000, $0x38;
	[tilespmem:$0x1A800] =	vst v63  }
0x155: {  	_ =	swait.ge [sflag:s10], $0xC000  }
0x156: {  	s1 =	sadd.s32 $0x80, s1;
	[sflag:s10] =	ssyncset.done $0x0  }
0x157: {  	s31 =	sadd.s32 $0x80, s31;
	s0 =	sadd.s32 $0x1800, s0;
	[sflag:s10] =	ssyncadd.s32 $0xFFFF4000  }
0x158: {  	s30 =	sadd.s32 $0x1, s30  }
0x159: {  	p0 =	sne.s32 s30, s9  }
.Ltmp1:
0x15a: {  	_ = 	snop;
	(pc) =	sbr.rel @p0 .LBB2_1-.Ltmp1, $1  }
0x15b: {  	_ =	sdelay $0x3  }
0x15c: {  	_ =	sfence.sel $0x180000  }
0x15d: {  	[bflag:$0x0] =	sbarrier.arrive $0xFFFF  }
0x15e: {  	_ =	strace $0x90000047  }
0x15f: {  	s0 =	stileid.u32;
	[bflag:$0x2] =	sbarrier.arrive $0xFFFF  }
0x160: {  	p0 =	sne.s32 s0, $0x0;
	s0 =	rddreg [dreg:$0x3]  }
0x161: {  	s0 =	sadd.s32 @!p0 $0x100000, s0  }
0x162: {  	[sflag:s0] =	ssyncadd.tile.s32 @!p0 $0x1;
	_ =	shalt  }
.Lfunc_end2:
_tile_overlayer_lowered:
.L_overlay_start_2:
0x163: {  	(tag) =	ssettag $0x2  }
0x164: {  	s0 =	rddreg [dreg:$0x0];
	s2 =	stileid.u32  }
0x165: {  	s1 =	rddreg [dreg:$0x1];
	p0 =	sne.s32 s2, $0x0  }
0x166: {  	s3 =	rddreg [dreg:$0x2];
	[bflag:$0x3] =	sbarrier.arrive $0xFFFF;
	s2 =	simm.s32 @!p0 $0x1C03  }
0x167: {  	[timem:s3], [sflag:s2] =	dma.local @!p0 [hbm:s0], s1  }
0x168: {  	s0 =	simm.s32 @!p0 $0x3  }
0x169: {  	_ =	swait.ge @!p0 [sflag:s0], s1  }
0x16a: {  	s1 =	ssub.s32 @!p0 $0x0, s1;
	[sflag:s0] =	ssyncset.done @!p0 $0x0  }
0x16b: {  	[sflag:s0] =	ssyncadd.s32 @!p0 s1  }
0x16c: {  	[bflag:$0x3] =	sbarrier.arrive $0xFFFF  }
0x16d: {  	_ =	shalt  }

</sc_bundles>
